<compile_context>
chip_gen: v7x
topology: tpu7x:2x2x1
jax: 0.10.2.dev20260603
libtpu: 0.0.44.dev20260713+nightly
codegen_flags: <defaults>
</compile_context>

<pallas_src>
import jax
import jax.numpy as jnp
from jax import lax
from jax.experimental import pallas as pl
from jax.experimental.pallas import tpu as pltpu, tpu_sc as plsc

VOCAB = 100000
D = 128
B = 4096
HIST = 50
EPS = 1e-5

NC, NS, LANES = 2, 16, 16
NW = NC * NS
N = B * HIST
ROWS_PER_W = N // NW
G = 128
NCHUNK = ROWS_PER_W // G
NVJ = D // LANES
NBUF = 3


def _ln_body(x_hbm, table_hbm, gamma_hbm, beta_hbm, out_hbm,
             idx_v, rows0, rows1, rows2, gamma_v, beta_v,
             gsem0, gsem1, gsem2, psem0, psem1, psem2):
    wid = lax.axis_index("s") * NC + lax.axis_index("c")
    base = wid * ROWS_PER_W

    pltpu.sync_copy(x_hbm.at[pl.ds(base, ROWS_PER_W)], idx_v)
    pltpu.sync_copy(gamma_hbm, gamma_v)
    pltpu.sync_copy(beta_hbm, beta_v)

    gvs = [gamma_v[pl.ds(LANES * j, LANES)] for j in range(NVJ)]
    bvs = [beta_v[pl.ds(LANES * j, LANES)] for j in range(NVJ)]

    inv_d = jnp.float32(1.0 / D)
    bufs = (rows0, rows1, rows2)
    gsems = (gsem0, gsem1, gsem2)
    psems = (psem0, psem1, psem2)

    def start_gather(c, buf, gsem):
        pltpu.async_copy(table_hbm.at[idx_v.at[pl.ds(c * G, G)]], buf, gsem)

    def wait_gather(buf, gsem):
        pltpu.make_async_copy(out_hbm.at[pl.ds(0, G)], buf, gsem).wait()

    def start_put(c, buf, psem):
        pltpu.async_copy(buf, out_hbm.at[pl.ds(base + c * G, G)], psem)

    def wait_put(buf, psem):
        pltpu.make_async_copy(buf, out_hbm.at[pl.ds(0, G)], psem).wait()

    iota = lax.iota(jnp.int32, LANES)
    _perm_dnums = lax.GatherDimensionNumbers(
        offset_dims=(), collapsed_slice_dims=(0,), start_index_map=(0,))

    def _perm(vec, idx):
        return lax.gather(
            vec, idx[:, None], _perm_dnums, (1,),
            mode=lax.GatherScatterMode.PROMISE_IN_BOUNDS)

    perms = [iota ^ k for k in (1, 2, 4, 8)]

    def compute_chunk(buf):
        def row_body(r, carry):
            vs = [buf[r, pl.ds(LANES * j, LANES)] for j in range(NVJ)]
            sqs = [v * v for v in vs]
            s01, s23 = vs[0] + vs[1], vs[2] + vs[3]
            s45, s67 = vs[4] + vs[5], vs[6] + vs[7]
            s = (s01 + s23) + (s45 + s67)
            q01, q23 = sqs[0] + sqs[1], sqs[2] + sqs[3]
            q45, q67 = sqs[4] + sqs[5], sqs[6] + sqs[7]
            sq = (q01 + q23) + (q45 + q67)
            for ix in perms:
                s = s + _perm(s, ix)
                sq = sq + _perm(sq, ix)
            mean = s * inv_d
            var = sq * inv_d - mean * mean
            vv = var + jnp.float32(EPS)
            iv = plsc.bitcast(vv, jnp.int32)
            y = plsc.bitcast(jnp.int32(0x5F3759DF) - (iv >> 1), jnp.float32)
            half = jnp.float32(0.5) * vv
            for _ in range(3):
                y = y * (jnp.float32(1.5) - half * y * y)
            for j in range(NVJ):
                buf[r, pl.ds(LANES * j, LANES)] = (
                    (vs[j] - mean) * y * gvs[j] + bvs[j])
            return carry

        lax.fori_loop(0, G, row_body, 0, unroll=2)

    start_gather(0, bufs[0], gsems[0])
    start_gather(1, bufs[1], gsems[1])

    def chunk_body(c, carry):
        for par in range(NBUF):
            @pl.when(c % NBUF == par)
            def _():
                buf, gsem, psem = bufs[par], gsems[par], psems[par]
                nxt = (par + 2) % NBUF

                @pl.when(c + 2 < NCHUNK)
                def _():
                    @pl.when(c >= 1)
                    def _():
                        wait_put(bufs[nxt], psems[nxt])
                    start_gather(c + 2, bufs[nxt], gsems[nxt])

                wait_gather(buf, gsem)
                compute_chunk(buf)
                start_put(c, buf, psem)
        return carry

    lax.fori_loop(0, NCHUNK, chunk_body, 0)
    for k in range(NBUF):
        par = (NCHUNK - 1 - k) % NBUF
        wait_put(bufs[par], psems[par])


@jax.jit
def _run(x_flat, table, gamma, beta):
    mesh = plsc.VectorSubcoreMesh(core_axis_name="c", subcore_axis_name="s")
    f = pl.kernel(
        _ln_body,
        out_type=jax.ShapeDtypeStruct((N, D), jnp.float32),
        mesh=mesh,
        scratch_types=[
            pltpu.VMEM((ROWS_PER_W,), jnp.int32),
            pltpu.VMEM((G, D), jnp.float32),
            pltpu.VMEM((G, D), jnp.float32),
            pltpu.VMEM((G, D), jnp.float32),
            pltpu.VMEM((D,), jnp.float32),
            pltpu.VMEM((D,), jnp.float32),
            pltpu.SemaphoreType.DMA,
            pltpu.SemaphoreType.DMA,
            pltpu.SemaphoreType.DMA,
            pltpu.SemaphoreType.DMA,
            pltpu.SemaphoreType.DMA,
            pltpu.SemaphoreType.DMA,
        ],
        compiler_params=pltpu.CompilerParams(needs_layout_passes=False),
    )
    return f(x_flat, table, gamma, beta)


def kernel(x, table, gamma, beta):
    x_flat = x.reshape(-1).astype(jnp.int32)
    out = _run(x_flat, table, gamma, beta)
    return out.reshape(B, HIST, D)

# --- scband reference (transcript-rebuilt; emitter-appended) ---
"""Pipeline reference for scband-word-embedding-37778532335749 (READ-ONLY COPY).

The authoritative reference and input builder live on the scoring server;
editing this copy changes nothing except your own understanding.
"""

import jax, jax.numpy as jnp
import numpy as np

VOCAB = 100000
D_MODEL = 128
BATCH = 4096
HIST = 50
EPS = 1e-5


def setup_inputs(seed: int = 0) -> dict:
    key = jax.random.key(seed)
    k1, k2 = jax.random.split(key)
    x = jax.random.randint(k1, (BATCH, HIST), 0, VOCAB, dtype=jnp.int64 if jax.config.read('jax_enable_x64') else jnp.int32)
    table = jax.random.normal(k2, (VOCAB, D_MODEL), dtype=jnp.float32)
    gamma = jnp.ones((D_MODEL,), dtype=jnp.float32)
    beta = jnp.zeros((D_MODEL,), dtype=jnp.float32)
    return {"x": x, "table": table, "gamma": gamma, "beta": beta}


def reference(x, table, gamma, beta):
    # embedding lookup (gather)
    emb = jnp.take(table, x, axis=0)  # [B, L, D]
    # layernorm over last dim, matching torch.nn.LayerNorm(d_model)
    mean = jnp.mean(emb, axis=-1, keepdims=True)
    var = jnp.mean((emb - mean) ** 2, axis=-1, keepdims=True)
    normed = (emb - mean) / jnp.sqrt(var + EPS)
    out = normed * gamma + beta
    return out

if __name__ == "__main__":
    import jax
    _d = setup_inputs()
    print(jax.jit(kernel)(*tuple(_d.values())))

</pallas_src>

<mosaic_0001>
#map = affine_map<(d0, d1) -> (0)>
#map1 = affine_map<(d0, d1) -> (0, 0)>
module attributes {stable_mosaic.version = 14 : i64} {
  func.func @_ln_body(%arg0: i32, %arg1: i32, %arg2: memref<204800xi32, #tpu.memory_space<hbm>>, %arg3: memref<100000x128xf32, #tpu.memory_space<hbm>>, %arg4: memref<128xf32, #tpu.memory_space<hbm>>, %arg5: memref<128xf32, #tpu.memory_space<hbm>>, %arg6: memref<204800x128xf32, #tpu.memory_space<hbm>>, %arg7: memref<6400xi32, #tpu.memory_space<vmem>>, %arg8: memref<128x128xf32, #tpu.memory_space<vmem>>, %arg9: memref<128x128xf32, #tpu.memory_space<vmem>>, %arg10: memref<128x128xf32, #tpu.memory_space<vmem>>, %arg11: memref<128xf32, #tpu.memory_space<vmem>>, %arg12: memref<128xf32, #tpu.memory_space<vmem>>, %arg13: memref<!tpu.dma_semaphore, #tpu.memory_space<semaphore_mem>>, %arg14: memref<!tpu.dma_semaphore, #tpu.memory_space<semaphore_mem>>, %arg15: memref<!tpu.dma_semaphore, #tpu.memory_space<semaphore_mem>>, %arg16: memref<!tpu.dma_semaphore, #tpu.memory_space<semaphore_mem>>, %arg17: memref<!tpu.dma_semaphore, #tpu.memory_space<semaphore_mem>>, %arg18: memref<!tpu.dma_semaphore, #tpu.memory_space<semaphore_mem>>) attributes {dimension_semantics = [#tpu.dimension_semantics<core_parallel>, #tpu.dimension_semantics<subcore_parallel>], iteration_bounds = array<i64: 2, 16>, scalar_prefetch = 0 : i64, scratch_operands = 12 : i64, tpu.core_type = #tpu.core_type<sc_vector_subcore>, window_params = [{transform_indices = #map}, {transform_indices = #map1}, {transform_indices = #map}, {transform_indices = #map}, {transform_indices = #map1}]} {
    %mul3A = arith.constant 2 : i32
    %mul3A_0 = arith.muli %arg1, %mul3A : i32
    %add3A = arith.addi %mul3A_0, %arg0 : i32
    %mul3A_1 = arith.constant 6400 : i32
    %mul3A_2 = arith.muli %add3A, %mul3A_1 : i32
    "tpu.region"() ({
      %run_scoped3A = tpu.sem_alloc : memref<!tpu.dma_semaphore, #tpu.memory_space<semaphore_mem>>
      %dma_start3A_77 = tpu.memref_slice %arg2[%mul3A_2] : memref<204800xi32, #tpu.memory_space<hbm>> -> memref<6400xi32, #tpu.memory_space<hbm>>
      %dma_start3A_78 = tpu.memref_slice %arg2[%mul3A_2] : memref<204800xi32, #tpu.memory_space<hbm>> -> memref<6400xi32, #tpu.memory_space<hbm>>
      tpu.enqueue_dma source(%dma_start3A_78 : memref<6400xi32, #tpu.memory_space<hbm>>) target(%arg7 : memref<6400xi32, #tpu.memory_space<vmem>>) target_semaphore(%run_scoped3A : memref<!tpu.dma_semaphore, #tpu.memory_space<semaphore_mem>>)
      %dma_wait3A_79 = tpu.memref_slice %arg2[%mul3A_2] : memref<204800xi32, #tpu.memory_space<hbm>> -> memref<6400xi32, #tpu.memory_space<hbm>>
      %dma_wait3A_80 = tpu.memref_slice %arg2[%mul3A_2] : memref<204800xi32, #tpu.memory_space<hbm>> -> memref<6400xi32, #tpu.memory_space<hbm>>
      tpu.wait_dma2 semaphore(%run_scoped3A : memref<!tpu.dma_semaphore, #tpu.memory_space<semaphore_mem>>) src(%dma_wait3A_80 : memref<6400xi32, #tpu.memory_space<hbm>>) dst(%arg7 : memref<6400xi32, #tpu.memory_space<vmem>>)
      tpu.yield
    }) : () -> ()
    "tpu.region"() ({
      %run_scoped3A = tpu.sem_alloc : memref<!tpu.dma_semaphore, #tpu.memory_space<semaphore_mem>>
      tpu.enqueue_dma source(%arg4 : memref<128xf32, #tpu.memory_space<hbm>>) target(%arg11 : memref<128xf32, #tpu.memory_space<vmem>>) target_semaphore(%run_scoped3A : memref<!tpu.dma_semaphore, #tpu.memory_space<semaphore_mem>>)
      tpu.wait_dma2 semaphore(%run_scoped3A : memref<!tpu.dma_semaphore, #tpu.memory_space<semaphore_mem>>) src(%arg4 : memref<128xf32, #tpu.memory_space<hbm>>) dst(%arg11 : memref<128xf32, #tpu.memory_space<vmem>>)
      tpu.yield
    }) : () -> ()
    "tpu.region"() ({
      %run_scoped3A = tpu.sem_alloc : memref<!tpu.dma_semaphore, #tpu.memory_space<semaphore_mem>>
      tpu.enqueue_dma source(%arg5 : memref<128xf32, #tpu.memory_space<hbm>>) target(%arg12 : memref<128xf32, #tpu.memory_space<vmem>>) target_semaphore(%run_scoped3A : memref<!tpu.dma_semaphore, #tpu.memory_space<semaphore_mem>>)
      tpu.wait_dma2 semaphore(%run_scoped3A : memref<!tpu.dma_semaphore, #tpu.memory_space<semaphore_mem>>) src(%arg5 : memref<128xf32, #tpu.memory_space<hbm>>) dst(%arg12 : memref<128xf32, #tpu.memory_space<vmem>>)
      tpu.yield
    }) : () -> ()
    %get3A = arith.constant 0 : index
    %get3A_3 = tpu.vector_load %arg11[%get3A] {strides = array<i32>} : memref<128xf32, #tpu.memory_space<vmem>>, vector<16xf32>,
    %get3A_4 = arith.constant 16 : index
    %get3A_5 = tpu.vector_load %arg11[%get3A_4] {strides = array<i32>} : memref<128xf32, #tpu.memory_space<vmem>>, vector<16xf32>,
    %get3A_6 = arith.constant 32 : index
    %get3A_7 = tpu.vector_load %arg11[%get3A_6] {strides = array<i32>} : memref<128xf32, #tpu.memory_space<vmem>>, vector<16xf32>,
    %get3A_8 = arith.constant 48 : index
    %get3A_9 = tpu.vector_load %arg11[%get3A_8] {strides = array<i32>} : memref<128xf32, #tpu.memory_space<vmem>>, vector<16xf32>,
    %get3A_10 = arith.constant 64 : index
    %get3A_11 = tpu.vector_load %arg11[%get3A_10] {strides = array<i32>} : memref<128xf32, #tpu.memory_space<vmem>>, vector<16xf32>,
    %get3A_12 = arith.constant 80 : index
    %get3A_13 = tpu.vector_load %arg11[%get3A_12] {strides = array<i32>} : memref<128xf32, #tpu.memory_space<vmem>>, vector<16xf32>,
    %get3A_14 = arith.constant 96 : index
    %get3A_15 = tpu.vector_load %arg11[%get3A_14] {strides = array<i32>} : memref<128xf32, #tpu.memory_space<vmem>>, vector<16xf32>,
    %get3A_16 = arith.constant 112 : index
    %get3A_17 = tpu.vector_load %arg11[%get3A_16] {strides = array<i32>} : memref<128xf32, #tpu.memory_space<vmem>>, vector<16xf32>,
    %get3A_18 = arith.constant 0 : index
    %get3A_19 = tpu.vector_load %arg12[%get3A_18] {strides = array<i32>} : memref<128xf32, #tpu.memory_space<vmem>>, vector<16xf32>,
    %get3A_20 = arith.constant 16 : index
    %get3A_21 = tpu.vector_load %arg12[%get3A_20] {strides = array<i32>} : memref<128xf32, #tpu.memory_space<vmem>>, vector<16xf32>,
    %get3A_22 = arith.constant 32 : index
    %get3A_23 = tpu.vector_load %arg12[%get3A_22] {strides = array<i32>} : memref<128xf32, #tpu.memory_space<vmem>>, vector<16xf32>,
    %get3A_24 = arith.constant 48 : index
    %get3A_25 = tpu.vector_load %arg12[%get3A_24] {strides = array<i32>} : memref<128xf32, #tpu.memory_space<vmem>>, vector<16xf32>,
    %get3A_26 = arith.constant 64 : index
    %get3A_27 = tpu.vector_load %arg12[%get3A_26] {strides = array<i32>} : memref<128xf32, #tpu.memory_space<vmem>>, vector<16xf32>,
    %get3A_28 = arith.constant 80 : index
    %get3A_29 = tpu.vector_load %arg12[%get3A_28] {strides = array<i32>} : memref<128xf32, #tpu.memory_space<vmem>>, vector<16xf32>,
    %get3A_30 = arith.constant 96 : index
    %get3A_31 = tpu.vector_load %arg12[%get3A_30] {strides = array<i32>} : memref<128xf32, #tpu.memory_space<vmem>>, vector<16xf32>,
    %get3A_32 = arith.constant 112 : index
    %get3A_33 = tpu.vector_load %arg12[%get3A_32] {strides = array<i32>} : memref<128xf32, #tpu.memory_space<vmem>>, vector<16xf32>,
    %iota3A = tpu.iota {dimensions = array<i32: 0>} : vector<16xi32>
    %xor3A = arith.constant 1 : i32
    %xor3A_34 = vector.broadcast %xor3A : i32 to vector<16xi32>
    %xor3A_35 = arith.xori %iota3A, %xor3A_34 : vector<16xi32>
    %xor3A_36 = arith.constant 2 : i32
    %xor3A_37 = vector.broadcast %xor3A_36 : i32 to vector<16xi32>
    %xor3A_38 = arith.xori %iota3A, %xor3A_37 : vector<16xi32>
    %xor3A_39 = arith.constant 4 : i32
    %xor3A_40 = vector.broadcast %xor3A_39 : i32 to vector<16xi32>
    %xor3A_41 = arith.xori %iota3A, %xor3A_40 : vector<16xi32>
    %xor3A_42 = arith.constant 8 : i32
    %xor3A_43 = vector.broadcast %xor3A_42 : i32 to vector<16xi32>
    %xor3A_44 = arith.xori %iota3A, %xor3A_43 : vector<16xi32>
    %dma_start3A = arith.constant 0 : i32
    %dma_start3A_45 = tpu.memref_slice %arg7[%dma_start3A] : memref<6400xi32, #tpu.memory_space<vmem>> -> memref<128xi32, #tpu.memory_space<vmem>>
    %dma_start3A_46 = arith.constant 0 : i32
    %dma_start3A_47 = arith.constant 0 : i32
    %dma_start3A_48 = tpu.memref_slice %arg3[%dma_start3A_46, %dma_start3A_47] : memref<100000x128xf32, #tpu.memory_space<hbm>> -> memref<100000x128xf32, #tpu.memory_space<hbm>>
    tpu.enqueue_indirect_dma source(%dma_start3A_48 : memref<100000x128xf32, #tpu.memory_space<hbm>>) target(%arg8 : memref<128x128xf32, #tpu.memory_space<vmem>>) offsets(%dma_start3A_45 : memref<128xi32, #tpu.memory_space<vmem>>) semaphore(%arg13 : memref<!tpu.dma_semaphore, #tpu.memory_space<semaphore_mem>>)
    %dma_start3A_49 = arith.constant 128 : i32
    %dma_start3A_50 = tpu.memref_slice %arg7[%dma_start3A_49] : memref<6400xi32, #tpu.memory_space<vmem>> -> memref<128xi32, #tpu.memory_space<vmem>>
    %dma_start3A_51 = arith.constant 0 : i32
    %dma_start3A_52 = arith.constant 0 : i32
    %dma_start3A_53 = tpu.memref_slice %arg3[%dma_start3A_51, %dma_start3A_52] : memref<100000x128xf32, #tpu.memory_space<hbm>> -> memref<100000x128xf32, #tpu.memory_space<hbm>>
    tpu.enqueue_indirect_dma source(%dma_start3A_53 : memref<100000x128xf32, #tpu.memory_space<hbm>>) target(%arg9 : memref<128x128xf32, #tpu.memory_space<vmem>>) offsets(%dma_start3A_50 : memref<128xi32, #tpu.memory_space<vmem>>) semaphore(%arg14 : memref<!tpu.dma_semaphore, #tpu.memory_space<semaphore_mem>>)
    %scan3A = arith.constant 0 : i32
    %scan3A_54 = arith.constant 7.812500e-03 : f32
    %scan3A_55 = arith.constant 0 : i32
    %scan3A_56 = arith.constant 50 : i32
    %scan3A_57 = arith.addi %scan3A_55, %scan3A_56 : i32
    %scan3A_58 = arith.constant 1 : i32
    scf.for %scan3A_77 = %scan3A_55 to %scan3A_57 step %scan3A_58  : i32 {
      %jit3A = arith.constant 3 : i32
      %eq3A = arith.constant 0 : i32
      %eq3A_78 = arith.cmpi eq, %jit3A, %eq3A : i32
      %jit3A_79 = arith.constant 1 : i32
      %select_n3A = arith.select %eq3A_78, %jit3A_79, %jit3A : i32
      %rem3A = arith.remsi %scan3A_77, %select_n3A : i32
      %ne3A = arith.constant 0 : i32
      %ne3A_80 = arith.cmpi ne, %rem3A, %ne3A : i32
      %lt3A = arith.constant 0 : i32
      %lt3A_81 = arith.cmpi slt, %rem3A, %lt3A : i32
      %lt3A_82 = arith.constant 0 : i32
      %lt3A_83 = arith.cmpi slt, %select_n3A, %lt3A_82 : i32
      %ne3A_84 = arith.xori %lt3A_81, %lt3A_83 : i1
      %and3A = arith.andi %ne3A_84, %ne3A_80 : i1
      %add3A_85 = arith.addi %rem3A, %select_n3A : i32
      %select_n3A_86 = arith.select %and3A, %add3A_85, %rem3A : i32
      %eq3A_87 = arith.constant 0 : i32
      %eq3A_88 = arith.cmpi eq, %select_n3A_86, %eq3A_87 : i32
      %convert_element_type3A = arith.extui %eq3A_88 : i1 to i32
      %cond3A = arith.constant 0 : i32
      %cond3A_89 = arith.cmpi ne, %convert_element_type3A, %cond3A : i32
      scf.if %cond3A_89 {
        %add3A_132 = arith.constant 2 : i32
        %add3A_133 = arith.addi %scan3A_77, %add3A_132 : i32
        %lt3A_134 = arith.constant 50 : i32
        %lt3A_135 = arith.cmpi slt, %add3A_133, %lt3A_134 : i32
        %convert_element_type3A_136 = arith.extui %lt3A_135 : i1 to i32
        %cond3A_137 = arith.constant 0 : i32
        %cond3A_138 = arith.cmpi ne, %convert_element_type3A_136, %cond3A_137 : i32
        scf.if %cond3A_138 {
          %ge3A = arith.constant 1 : i32
          %ge3A_158 = arith.cmpi sge, %scan3A_77, %ge3A : i32
          %convert_element_type3A_159 = arith.extui %ge3A_158 : i1 to i32
          %cond3A_160 = arith.constant 0 : i32
          %cond3A_161 = arith.cmpi ne, %convert_element_type3A_159, %cond3A_160 : i32
          scf.if %cond3A_161 {
            %dma_wait3A_170 = arith.constant 0 : i32
            %dma_wait3A_171 = arith.constant 0 : i32
            %dma_wait3A_172 = tpu.memref_slice %arg6[%dma_wait3A_170, %dma_wait3A_171] : memref<204800x128xf32, #tpu.memory_space<hbm>> -> memref<128x128xf32, #tpu.memory_space<hbm>>
            %dma_wait3A_173 = arith.constant 0 : i32
            %dma_wait3A_174 = arith.constant 0 : i32
            %dma_wait3A_175 = tpu.memref_slice %arg6[%dma_wait3A_173, %dma_wait3A_174] : memref<204800x128xf32, #tpu.memory_space<hbm>> -> memref<128x128xf32, #tpu.memory_space<hbm>>
            tpu.wait_dma2 semaphore(%arg18 : memref<!tpu.dma_semaphore, #tpu.memory_space<semaphore_mem>>) src(%arg10 : memref<128x128xf32, #tpu.memory_space<vmem>>) dst(%dma_wait3A_175 : memref<128x128xf32, #tpu.memory_space<hbm>>)
          } else {
          }
          %add3A_162 = arith.constant 2 : i32
          %add3A_163 = arith.addi %scan3A_77, %add3A_162 : i32
          %mul3A_164 = arith.constant 128 : i32
          %mul3A_165 = arith.muli %add3A_163, %mul3A_164 : i32
          %dma_start3A_166 = tpu.memref_slice %arg7[%mul3A_165] : memref<6400xi32, #tpu.memory_space<vmem>> -> memref<128xi32, #tpu.memory_space<vmem>>
          %dma_start3A_167 = arith.constant 0 : i32
          %dma_start3A_168 = arith.constant 0 : i32
          %dma_start3A_169 = tpu.memref_slice %arg3[%dma_start3A_167, %dma_start3A_168] : memref<100000x128xf32, #tpu.memory_space<hbm>> -> memref<100000x128xf32, #tpu.memory_space<hbm>>
          tpu.enqueue_indirect_dma source(%dma_start3A_169 : memref<100000x128xf32, #tpu.memory_space<hbm>>) target(%arg10 : memref<128x128xf32, #tpu.memory_space<vmem>>) offsets(%dma_start3A_166 : memref<128xi32, #tpu.memory_space<vmem>>) semaphore(%arg15 : memref<!tpu.dma_semaphore, #tpu.memory_space<semaphore_mem>>)
        } else {
        }
        %dma_wait3A_139 = arith.constant 0 : i32
        %dma_wait3A_140 = arith.constant 0 : i32
        %dma_wait3A_141 = tpu.memref_slice %arg6[%dma_wait3A_139, %dma_wait3A_140] : memref<204800x128xf32, #tpu.memory_space<hbm>> -> memref<128x128xf32, #tpu.memory_space<hbm>>
        %dma_wait3A_142 = arith.constant 0 : i32
        %dma_wait3A_143 = arith.constant 0 : i32
        %dma_wait3A_144 = tpu.memref_slice %arg6[%dma_wait3A_142, %dma_wait3A_143] : memref<204800x128xf32, #tpu.memory_space<hbm>> -> memref<128x128xf32, #tpu.memory_space<hbm>>
        tpu.wait_dma2 semaphore(%arg13 : memref<!tpu.dma_semaphore, #tpu.memory_space<semaphore_mem>>) src(%dma_wait3A_144 : memref<128x128xf32, #tpu.memory_space<hbm>>) dst(%arg8 : memref<128x128xf32, #tpu.memory_space<vmem>>)
        %scan3A_145 = arith.constant 0 : i32
        %scan3A_146 = arith.constant 0 : i32
        %scan3A_147 = arith.constant 128 : i32
        %scan3A_148 = arith.addi %scan3A_146, %scan3A_147 : i32
        %scan3A_149 = arith.constant 2 : i32
        scf.for %scan3A_158 = %scan3A_146 to %scan3A_148 step %scan3A_149  : i32 {
          %get3A_159 = arith.index_cast %scan3A_158 : i32 to index
          %get3A_160 = arith.constant 0 : index
          %get3A_161 = tpu.vector_load %arg8[%get3A_159, %get3A_160] {strides = array<i32>} : memref<128x128xf32, #tpu.memory_space<vmem>>, vector<16xf32>,
          %get3A_162 = arith.index_cast %scan3A_158 : i32 to index
          %get3A_163 = arith.constant 16 : index
          %get3A_164 = tpu.vector_load %arg8[%get3A_162, %get3A_163] {strides = array<i32>} : memref<128x128xf32, #tpu.memory_space<vmem>>, vector<16xf32>,
          %get3A_165 = arith.index_cast %scan3A_158 : i32 to index
          %get3A_166 = arith.constant 32 : index
          %get3A_167 = tpu.vector_load %arg8[%get3A_165, %get3A_166] {strides = array<i32>} : memref<128x128xf32, #tpu.memory_space<vmem>>, vector<16xf32>,
          %get3A_168 = arith.index_cast %scan3A_158 : i32 to index
          %get3A_169 = arith.constant 48 : index
          %get3A_170 = tpu.vector_load %arg8[%get3A_168, %get3A_169] {strides = array<i32>} : memref<128x128xf32, #tpu.memory_space<vmem>>, vector<16xf32>,
          %get3A_171 = arith.index_cast %scan3A_158 : i32 to index
          %get3A_172 = arith.constant 64 : index
          %get3A_173 = tpu.vector_load %arg8[%get3A_171, %get3A_172] {strides = array<i32>} : memref<128x128xf32, #tpu.memory_space<vmem>>, vector<16xf32>,
          %get3A_174 = arith.index_cast %scan3A_158 : i32 to index
          %get3A_175 = arith.constant 80 : index
          %get3A_176 = tpu.vector_load %arg8[%get3A_174, %get3A_175] {strides = array<i32>} : memref<128x128xf32, #tpu.memory_space<vmem>>, vector<16xf32>,
          %get3A_177 = arith.index_cast %scan3A_158 : i32 to index
          %get3A_178 = arith.constant 96 : index
          %get3A_179 = tpu.vector_load %arg8[%get3A_177, %get3A_178] {strides = array<i32>} : memref<128x128xf32, #tpu.memory_space<vmem>>, vector<16xf32>,
          %get3A_180 = arith.index_cast %scan3A_158 : i32 to index
          %get3A_181 = arith.constant 112 : index
          %get3A_182 = tpu.vector_load %arg8[%get3A_180, %get3A_181] {strides = array<i32>} : memref<128x128xf32, #tpu.memory_space<vmem>>, vector<16xf32>,
          %mul3A_183 = arith.mulf %get3A_161, %get3A_161 : vector<16xf32>
          %mul3A_184 = arith.mulf %get3A_164, %get3A_164 : vector<16xf32>
          %mul3A_185 = arith.mulf %get3A_167, %get3A_167 : vector<16xf32>
          %mul3A_186 = arith.mulf %get3A_170, %get3A_170 : vector<16xf32>
          %mul3A_187 = arith.mulf %get3A_173, %get3A_173 : vector<16xf32>
          %mul3A_188 = arith.mulf %get3A_176, %get3A_176 : vector<16xf32>
          %mul3A_189 = arith.mulf %get3A_179, %get3A_179 : vector<16xf32>
          %mul3A_190 = arith.mulf %get3A_182, %get3A_182 : vector<16xf32>
          %add3A_191 = arith.addf %get3A_161, %get3A_164 : vector<16xf32>
          %add3A_192 = arith.addf %get3A_167, %get3A_170 : vector<16xf32>
          %add3A_193 = arith.addf %get3A_173, %get3A_176 : vector<16xf32>
          %add3A_194 = arith.addf %get3A_179, %get3A_182 : vector<16xf32>
          %add3A_195 = arith.addf %add3A_191, %add3A_192 : vector<16xf32>
          %add3A_196 = arith.addf %add3A_193, %add3A_194 : vector<16xf32>
          %add3A_197 = arith.addf %add3A_195, %add3A_196 : vector<16xf32>
          %add3A_198 = arith.addf %mul3A_183, %mul3A_184 : vector<16xf32>
          %add3A_199 = arith.addf %mul3A_185, %mul3A_186 : vector<16xf32>
          %add3A_200 = arith.addf %mul3A_187, %mul3A_188 : vector<16xf32>
          %add3A_201 = arith.addf %mul3A_189, %mul3A_190 : vector<16xf32>
          %add3A_202 = arith.addf %add3A_198, %add3A_199 : vector<16xf32>
          %add3A_203 = arith.addf %add3A_200, %add3A_201 : vector<16xf32>
          %add3A_204 = arith.addf %add3A_202, %add3A_203 : vector<16xf32>
          %broadcast_in_dim3A = vector.shape_cast %xor3A_35 : vector<16xi32> to vector<16x1xi32>
          %gather3A = vector.shape_cast %broadcast_in_dim3A : vector<16x1xi32> to vector<16xi32>
          %gather3A_205 = tpu.dynamic_gather %add3A_197[%gather3A] in [0] : vector<16xf32>, vector<16xi32> -> vector<16xf32>
          %add3A_206 = arith.addf %add3A_197, %gather3A_205 : vector<16xf32>
          %broadcast_in_dim3A_207 = vector.shape_cast %xor3A_35 : vector<16xi32> to vector<16x1xi32>
          %gather3A_208 = vector.shape_cast %broadcast_in_dim3A_207 : vector<16x1xi32> to vector<16xi32>
          %gather3A_209 = tpu.dynamic_gather %add3A_204[%gather3A_208] in [0] : vector<16xf32>, vector<16xi32> -> vector<16xf32>
          %add3A_210 = arith.addf %add3A_204, %gather3A_209 : vector<16xf32>
          %broadcast_in_dim3A_211 = vector.shape_cast %xor3A_38 : vector<16xi32> to vector<16x1xi32>
          %gather3A_212 = vector.shape_cast %broadcast_in_dim3A_211 : vector<16x1xi32> to vector<16xi32>
          %gather3A_213 = tpu.dynamic_gather %add3A_206[%gather3A_212] in [0] : vector<16xf32>, vector<16xi32> -> vector<16xf32>
          %add3A_214 = arith.addf %add3A_206, %gather3A_213 : vector<16xf32>
          %broadcast_in_dim3A_215 = vector.shape_cast %xor3A_38 : vector<16xi32> to vector<16x1xi32>
          %gather3A_216 = vector.shape_cast %broadcast_in_dim3A_215 : vector<16x1xi32> to vector<16xi32>
          %gather3A_217 = tpu.dynamic_gather %add3A_210[%gather3A_216] in [0] : vector<16xf32>, vector<16xi32> -> vector<16xf32>
          %add3A_218 = arith.addf %add3A_210, %gather3A_217 : vector<16xf32>
          %broadcast_in_dim3A_219 = vector.shape_cast %xor3A_41 : vector<16xi32> to vector<16x1xi32>
          %gather3A_220 = vector.shape_cast %broadcast_in_dim3A_219 : vector<16x1xi32> to vector<16xi32>
          %gather3A_221 = tpu.dynamic_gather %add3A_214[%gather3A_220] in [0] : vector<16xf32>, vector<16xi32> -> vector<16xf32>
          %add3A_222 = arith.addf %add3A_214, %gather3A_221 : vector<16xf32>
          %broadcast_in_dim3A_223 = vector.shape_cast %xor3A_41 : vector<16xi32> to vector<16x1xi32>
          %gather3A_224 = vector.shape_cast %broadcast_in_dim3A_223 : vector<16x1xi32> to vector<16xi32>
          %gather3A_225 = tpu.dynamic_gather %add3A_218[%gather3A_224] in [0] : vector<16xf32>, vector<16xi32> -> vector<16xf32>
          %add3A_226 = arith.addf %add3A_218, %gather3A_225 : vector<16xf32>
          %broadcast_in_dim3A_227 = vector.shape_cast %xor3A_44 : vector<16xi32> to vector<16x1xi32>
          %gather3A_228 = vector.shape_cast %broadcast_in_dim3A_227 : vector<16x1xi32> to vector<16xi32>
          %gather3A_229 = tpu.dynamic_gather %add3A_222[%gather3A_228] in [0] : vector<16xf32>, vector<16xi32> -> vector<16xf32>
          %add3A_230 = arith.addf %add3A_222, %gather3A_229 : vector<16xf32>
          %broadcast_in_dim3A_231 = vector.shape_cast %xor3A_44 : vector<16xi32> to vector<16x1xi32>
          %gather3A_232 = vector.shape_cast %broadcast_in_dim3A_231 : vector<16x1xi32> to vector<16xi32>
          %gather3A_233 = tpu.dynamic_gather %add3A_226[%gather3A_232] in [0] : vector<16xf32>, vector<16xi32> -> vector<16xf32>
          %add3A_234 = arith.addf %add3A_226, %gather3A_233 : vector<16xf32>
          %mul3A_235 = vector.broadcast %scan3A_54 : f32 to vector<16xf32>
          %mul3A_236 = arith.mulf %add3A_230, %mul3A_235 : vector<16xf32>
          %mul3A_237 = vector.broadcast %scan3A_54 : f32 to vector<16xf32>
          %mul3A_238 = arith.mulf %add3A_234, %mul3A_237 : vector<16xf32>
          %mul3A_239 = arith.mulf %mul3A_236, %mul3A_236 : vector<16xf32>
          %sub3A = arith.subf %mul3A_238, %mul3A_239 : vector<16xf32>
          %add3A_240 = arith.constant 9.99999974E-6 : f32
          %add3A_241 = vector.broadcast %add3A_240 : f32 to vector<16xf32>
          %add3A_242 = arith.addf %sub3A, %add3A_241 : vector<16xf32>
          %bitcast3A = vector.bitcast %add3A_242 : vector<16xf32> to vector<16xi32>
          %shift_right_arithmetic3A = arith.constant 1 : i32
          %shift_right_arithmetic3A_243 = vector.broadcast %shift_right_arithmetic3A : i32 to vector<16xi32>
          %shift_right_arithmetic3A_244 = arith.shrsi %bitcast3A, %shift_right_arithmetic3A_243 : vector<16xi32>
          %sub3A_245 = arith.constant 1597463007 : i32
          %sub3A_246 = vector.broadcast %sub3A_245 : i32 to vector<16xi32>
          %sub3A_247 = arith.subi %sub3A_246, %shift_right_arithmetic3A_244 : vector<16xi32>
          %bitcast3A_248 = vector.bitcast %sub3A_247 : vector<16xi32> to vector<16xf32>
          %mul3A_249 = arith.constant 5.000000e-01 : f32
          %mul3A_250 = vector.broadcast %mul3A_249 : f32 to vector<16xf32>
          %mul3A_251 = arith.mulf %mul3A_250, %add3A_242 : vector<16xf32>
          %mul3A_252 = arith.mulf %mul3A_251, %bitcast3A_248 : vector<16xf32>
          %mul3A_253 = arith.mulf %mul3A_252, %bitcast3A_248 : vector<16xf32>
          %sub3A_254 = arith.constant 1.500000e+00 : f32
          %sub3A_255 = vector.broadcast %sub3A_254 : f32 to vector<16xf32>
          %sub3A_256 = arith.subf %sub3A_255, %mul3A_253 : vector<16xf32>
          %mul3A_257 = arith.mulf %bitcast3A_248, %sub3A_256 : vector<16xf32>
          %mul3A_258 = arith.mulf %mul3A_251, %mul3A_257 : vector<16xf32>
          %mul3A_259 = arith.mulf %mul3A_258, %mul3A_257 : vector<16xf32>
          %sub3A_260 = arith.constant 1.500000e+00 : f32
          %sub3A_261 = vector.broadcast %sub3A_260 : f32 to vector<16xf32>
          %sub3A_262 = arith.subf %sub3A_261, %mul3A_259 : vector<16xf32>
          %mul3A_263 = arith.mulf %mul3A_257, %sub3A_262 : vector<16xf32>
          %mul3A_264 = arith.mulf %mul3A_251, %mul3A_263 : vector<16xf32>
          %mul3A_265 = arith.mulf %mul3A_264, %mul3A_263 : vector<16xf32>
          %sub3A_266 = arith.constant 1.500000e+00 : f32
          %sub3A_267 = vector.broadcast %sub3A_266 : f32 to vector<16xf32>
          %sub3A_268 = arith.subf %sub3A_267, %mul3A_265 : vector<16xf32>
          %mul3A_269 = arith.mulf %mul3A_263, %sub3A_268 : vector<16xf32>
          %sub3A_270 = arith.subf %get3A_161, %mul3A_236 : vector<16xf32>
          %mul3A_271 = arith.mulf %sub3A_270, %mul3A_269 : vector<16xf32>
          %mul3A_272 = arith.mulf %mul3A_271, %get3A_3 : vector<16xf32>
          %add3A_273 = arith.addf %mul3A_272, %get3A_19 : vector<16xf32>
          %swap3A = arith.index_cast %scan3A_158 : i32 to index
          %swap3A_274 = arith.constant 0 : index
          %swap3A_275 = tpu.vector_load %arg8[%swap3A, %swap3A_274] {strides = array<i32>} : memref<128x128xf32, #tpu.memory_space<vmem>>, vector<16xf32>,
          tpu.vector_store %arg8[%swap3A, %swap3A_274], %add3A_273 {strides = array<i32>} : memref<128x128xf32, #tpu.memory_space<vmem>>, vector<16xf32>,
          %sub3A_276 = arith.subf %get3A_164, %mul3A_236 : vector<16xf32>
          %mul3A_277 = arith.mulf %sub3A_276, %mul3A_269 : vector<16xf32>
          %mul3A_278 = arith.mulf %mul3A_277, %get3A_5 : vector<16xf32>
          %add3A_279 = arith.addf %mul3A_278, %get3A_21 : vector<16xf32>
          %swap3A_280 = arith.index_cast %scan3A_158 : i32 to index
          %swap3A_281 = arith.constant 16 : index
          %swap3A_282 = tpu.vector_load %arg8[%swap3A_280, %swap3A_281] {strides = array<i32>} : memref<128x128xf32, #tpu.memory_space<vmem>>, vector<16xf32>,
          tpu.vector_store %arg8[%swap3A_280, %swap3A_281], %add3A_279 {strides = array<i32>} : memref<128x128xf32, #tpu.memory_space<vmem>>, vector<16xf32>,
          %sub3A_283 = arith.subf %get3A_167, %mul3A_236 : vector<16xf32>
          %mul3A_284 = arith.mulf %sub3A_283, %mul3A_269 : vector<16xf32>
          %mul3A_285 = arith.mulf %mul3A_284, %get3A_7 : vector<16xf32>
          %add3A_286 = arith.addf %mul3A_285, %get3A_23 : vector<16xf32>
          %swap3A_287 = arith.index_cast %scan3A_158 : i32 to index
          %swap3A_288 = arith.constant 32 : index
          %swap3A_289 = tpu.vector_load %arg8[%swap3A_287, %swap3A_288] {strides = array<i32>} : memref<128x128xf32, #tpu.memory_space<vmem>>, vector<16xf32>,
          tpu.vector_store %arg8[%swap3A_287, %swap3A_288], %add3A_286 {strides = array<i32>} : memref<128x128xf32, #tpu.memory_space<vmem>>, vector<16xf32>,
          %sub3A_290 = arith.subf %get3A_170, %mul3A_236 : vector<16xf32>
          %mul3A_291 = arith.mulf %sub3A_290, %mul3A_269 : vector<16xf32>
          %mul3A_292 = arith.mulf %mul3A_291, %get3A_9 : vector<16xf32>
          %add3A_293 = arith.addf %mul3A_292, %get3A_25 : vector<16xf32>
          %swap3A_294 = arith.index_cast %scan3A_158 : i32 to index
          %swap3A_295 = arith.constant 48 : index
          %swap3A_296 = tpu.vector_load %arg8[%swap3A_294, %swap3A_295] {strides = array<i32>} : memref<128x128xf32, #tpu.memory_space<vmem>>, vector<16xf32>,
          tpu.vector_store %arg8[%swap3A_294, %swap3A_295], %add3A_293 {strides = array<i32>} : memref<128x128xf32, #tpu.memory_space<vmem>>, vector<16xf32>,
          %sub3A_297 = arith.subf %get3A_173, %mul3A_236 : vector<16xf32>
          %mul3A_298 = arith.mulf %sub3A_297, %mul3A_269 : vector<16xf32>
          %mul3A_299 = arith.mulf %mul3A_298, %get3A_11 : vector<16xf32>
          %add3A_300 = arith.addf %mul3A_299, %get3A_27 : vector<16xf32>
          %swap3A_301 = arith.index_cast %scan3A_158 : i32 to index
          %swap3A_302 = arith.constant 64 : index
          %swap3A_303 = tpu.vector_load %arg8[%swap3A_301, %swap3A_302] {strides = array<i32>} : memref<128x128xf32, #tpu.memory_space<vmem>>, vector<16xf32>,
          tpu.vector_store %arg8[%swap3A_301, %swap3A_302], %add3A_300 {strides = array<i32>} : memref<128x128xf32, #tpu.memory_space<vmem>>, vector<16xf32>,
          %sub3A_304 = arith.subf %get3A_176, %mul3A_236 : vector<16xf32>
          %mul3A_305 = arith.mulf %sub3A_304, %mul3A_269 : vector<16xf32>
          %mul3A_306 = arith.mulf %mul3A_305, %get3A_13 : vector<16xf32>
          %add3A_307 = arith.addf %mul3A_306, %get3A_29 : vector<16xf32>
          %swap3A_308 = arith.index_cast %scan3A_158 : i32 to index
          %swap3A_309 = arith.constant 80 : index
          %swap3A_310 = tpu.vector_load %arg8[%swap3A_308, %swap3A_309] {strides = array<i32>} : memref<128x128xf32, #tpu.memory_space<vmem>>, vector<16xf32>,
          tpu.vector_store %arg8[%swap3A_308, %swap3A_309], %add3A_307 {strides = array<i32>} : memref<128x128xf32, #tpu.memory_space<vmem>>, vector<16xf32>,
          %sub3A_311 = arith.subf %get3A_179, %mul3A_236 : vector<16xf32>
          %mul3A_312 = arith.mulf %sub3A_311, %mul3A_269 : vector<16xf32>
          %mul3A_313 = arith.mulf %mul3A_312, %get3A_15 : vector<16xf32>
          %add3A_314 = arith.addf %mul3A_313, %get3A_31 : vector<16xf32>
          %swap3A_315 = arith.index_cast %scan3A_158 : i32 to index
          %swap3A_316 = arith.constant 96 : index
          %swap3A_317 = tpu.vector_load %arg8[%swap3A_315, %swap3A_316] {strides = array<i32>} : memref<128x128xf32, #tpu.memory_space<vmem>>, vector<16xf32>,
          tpu.vector_store %arg8[%swap3A_315, %swap3A_316], %add3A_314 {strides = array<i32>} : memref<128x128xf32, #tpu.memory_space<vmem>>, vector<16xf32>,
          %sub3A_318 = arith.subf %get3A_182, %mul3A_236 : vector<16xf32>
          %mul3A_319 = arith.mulf %sub3A_318, %mul3A_269 : vector<16xf32>
          %mul3A_320 = arith.mulf %mul3A_319, %get3A_17 : vector<16xf32>
          %add3A_321 = arith.addf %mul3A_320, %get3A_33 : vector<16xf32>
          %swap3A_322 = arith.index_cast %scan3A_158 : i32 to index
          %swap3A_323 = arith.constant 112 : index
          %swap3A_324 = tpu.vector_load %arg8[%swap3A_322, %swap3A_323] {strides = array<i32>} : memref<128x128xf32, #tpu.memory_space<vmem>>, vector<16xf32>,
          tpu.vector_store %arg8[%swap3A_322, %swap3A_323], %add3A_321 {strides = array<i32>} : memref<128x128xf32, #tpu.memory_space<vmem>>, vector<16xf32>,
          %scan3A_325 = arith.constant 1 : i32
          %scan3A_326 = arith.addi %scan3A_158, %scan3A_325 : i32
          %get3A_327 = arith.index_cast %scan3A_326 : i32 to index
          %get3A_328 = arith.constant 0 : index
          %get3A_329 = tpu.vector_load %arg8[%get3A_327, %get3A_328] {strides = array<i32>} : memref<128x128xf32, #tpu.memory_space<vmem>>, vector<16xf32>,
          %get3A_330 = arith.index_cast %scan3A_326 : i32 to index
          %get3A_331 = arith.constant 16 : index
          %get3A_332 = tpu.vector_load %arg8[%get3A_330, %get3A_331] {strides = array<i32>} : memref<128x128xf32, #tpu.memory_space<vmem>>, vector<16xf32>,
          %get3A_333 = arith.index_cast %scan3A_326 : i32 to index
          %get3A_334 = arith.constant 32 : index
          %get3A_335 = tpu.vector_load %arg8[%get3A_333, %get3A_334] {strides = array<i32>} : memref<128x128xf32, #tpu.memory_space<vmem>>, vector<16xf32>,
          %get3A_336 = arith.index_cast %scan3A_326 : i32 to index
          %get3A_337 = arith.constant 48 : index
          %get3A_338 = tpu.vector_load %arg8[%get3A_336, %get3A_337] {strides = array<i32>} : memref<128x128xf32, #tpu.memory_space<vmem>>, vector<16xf32>,
          %get3A_339 = arith.index_cast %scan3A_326 : i32 to index
          %get3A_340 = arith.constant 64 : index
          %get3A_341 = tpu.vector_load %arg8[%get3A_339, %get3A_340] {strides = array<i32>} : memref<128x128xf32, #tpu.memory_space<vmem>>, vector<16xf32>,
          %get3A_342 = arith.index_cast %scan3A_326 : i32 to index
          %get3A_343 = arith.constant 80 : index
          %get3A_344 = tpu.vector_load %arg8[%get3A_342, %get3A_343] {strides = array<i32>} : memref<128x128xf32, #tpu.memory_space<vmem>>, vector<16xf32>,
          %get3A_345 = arith.index_cast %scan3A_326 : i32 to index
          %get3A_346 = arith.constant 96 : index
          %get3A_347 = tpu.vector_load %arg8[%get3A_345, %get3A_346] {strides = array<i32>} : memref<128x128xf32, #tpu.memory_space<vmem>>, vector<16xf32>,
          %get3A_348 = arith.index_cast %scan3A_326 : i32 to index
          %get3A_349 = arith.constant 112 : index
          %get3A_350 = tpu.vector_load %arg8[%get3A_348, %get3A_349] {strides = array<i32>} : memref<128x128xf32, #tpu.memory_space<vmem>>, vector<16xf32>,
          %mul3A_351 = arith.mulf %get3A_329, %get3A_329 : vector<16xf32>
          %mul3A_352 = arith.mulf %get3A_332, %get3A_332 : vector<16xf32>
          %mul3A_353 = arith.mulf %get3A_335, %get3A_335 : vector<16xf32>
          %mul3A_354 = arith.mulf %get3A_338, %get3A_338 : vector<16xf32>
          %mul3A_355 = arith.mulf %get3A_341, %get3A_341 : vector<16xf32>
          %mul3A_356 = arith.mulf %get3A_344, %get3A_344 : vector<16xf32>
          %mul3A_357 = arith.mulf %get3A_347, %get3A_347 : vector<16xf32>
          %mul3A_358 = arith.mulf %get3A_350, %get3A_350 : vector<16xf32>
          %add3A_359 = arith.addf %get3A_329, %get3A_332 : vector<16xf32>
          %add3A_360 = arith.addf %get3A_335, %get3A_338 : vector<16xf32>
          %add3A_361 = arith.addf %get3A_341, %get3A_344 : vector<16xf32>
          %add3A_362 = arith.addf %get3A_347, %get3A_350 : vector<16xf32>
          %add3A_363 = arith.addf %add3A_359, %add3A_360 : vector<16xf32>
          %add3A_364 = arith.addf %add3A_361, %add3A_362 : vector<16xf32>
          %add3A_365 = arith.addf %add3A_363, %add3A_364 : vector<16xf32>
          %add3A_366 = arith.addf %mul3A_351, %mul3A_352 : vector<16xf32>
          %add3A_367 = arith.addf %mul3A_353, %mul3A_354 : vector<16xf32>
          %add3A_368 = arith.addf %mul3A_355, %mul3A_356 : vector<16xf32>
          %add3A_369 = arith.addf %mul3A_357, %mul3A_358 : vector<16xf32>
          %add3A_370 = arith.addf %add3A_366, %add3A_367 : vector<16xf32>
          %add3A_371 = arith.addf %add3A_368, %add3A_369 : vector<16xf32>
          %add3A_372 = arith.addf %add3A_370, %add3A_371 : vector<16xf32>
          %broadcast_in_dim3A_373 = vector.shape_cast %xor3A_35 : vector<16xi32> to vector<16x1xi32>
          %gather3A_374 = vector.shape_cast %broadcast_in_dim3A_373 : vector<16x1xi32> to vector<16xi32>
          %gather3A_375 = tpu.dynamic_gather %add3A_365[%gather3A_374] in [0] : vector<16xf32>, vector<16xi32> -> vector<16xf32>
          %add3A_376 = arith.addf %add3A_365, %gather3A_375 : vector<16xf32>
          %broadcast_in_dim3A_377 = vector.shape_cast %xor3A_35 : vector<16xi32> to vector<16x1xi32>
          %gather3A_378 = vector.shape_cast %broadcast_in_dim3A_377 : vector<16x1xi32> to vector<16xi32>
          %gather3A_379 = tpu.dynamic_gather %add3A_372[%gather3A_378] in [0] : vector<16xf32>, vector<16xi32> -> vector<16xf32>
          %add3A_380 = arith.addf %add3A_372, %gather3A_379 : vector<16xf32>
          %broadcast_in_dim3A_381 = vector.shape_cast %xor3A_38 : vector<16xi32> to vector<16x1xi32>
          %gather3A_382 = vector.shape_cast %broadcast_in_dim3A_381 : vector<16x1xi32> to vector<16xi32>
          %gather3A_383 = tpu.dynamic_gather %add3A_376[%gather3A_382] in [0] : vector<16xf32>, vector<16xi32> -> vector<16xf32>
          %add3A_384 = arith.addf %add3A_376, %gather3A_383 : vector<16xf32>
          %broadcast_in_dim3A_385 = vector.shape_cast %xor3A_38 : vector<16xi32> to vector<16x1xi32>
          %gather3A_386 = vector.shape_cast %broadcast_in_dim3A_385 : vector<16x1xi32> to vector<16xi32>
          %gather3A_387 = tpu.dynamic_gather %add3A_380[%gather3A_386] in [0] : vector<16xf32>, vector<16xi32> -> vector<16xf32>
          %add3A_388 = arith.addf %add3A_380, %gather3A_387 : vector<16xf32>
          %broadcast_in_dim3A_389 = vector.shape_cast %xor3A_41 : vector<16xi32> to vector<16x1xi32>
          %gather3A_390 = vector.shape_cast %broadcast_in_dim3A_389 : vector<16x1xi32> to vector<16xi32>
          %gather3A_391 = tpu.dynamic_gather %add3A_384[%gather3A_390] in [0] : vector<16xf32>, vector<16xi32> -> vector<16xf32>
          %add3A_392 = arith.addf %add3A_384, %gather3A_391 : vector<16xf32>
          %broadcast_in_dim3A_393 = vector.shape_cast %xor3A_41 : vector<16xi32> to vector<16x1xi32>
          %gather3A_394 = vector.shape_cast %broadcast_in_dim3A_393 : vector<16x1xi32> to vector<16xi32>
          %gather3A_395 = tpu.dynamic_gather %add3A_388[%gather3A_394] in [0] : vector<16xf32>, vector<16xi32> -> vector<16xf32>
          %add3A_396 = arith.addf %add3A_388, %gather3A_395 : vector<16xf32>
          %broadcast_in_dim3A_397 = vector.shape_cast %xor3A_44 : vector<16xi32> to vector<16x1xi32>
          %gather3A_398 = vector.shape_cast %broadcast_in_dim3A_397 : vector<16x1xi32> to vector<16xi32>
          %gather3A_399 = tpu.dynamic_gather %add3A_392[%gather3A_398] in [0] : vector<16xf32>, vector<16xi32> -> vector<16xf32>
          %add3A_400 = arith.addf %add3A_392, %gather3A_399 : vector<16xf32>
          %broadcast_in_dim3A_401 = vector.shape_cast %xor3A_44 : vector<16xi32> to vector<16x1xi32>
          %gather3A_402 = vector.shape_cast %broadcast_in_dim3A_401 : vector<16x1xi32> to vector<16xi32>
          %gather3A_403 = tpu.dynamic_gather %add3A_396[%gather3A_402] in [0] : vector<16xf32>, vector<16xi32> -> vector<16xf32>
          %add3A_404 = arith.addf %add3A_396, %gather3A_403 : vector<16xf32>
          %mul3A_405 = vector.broadcast %scan3A_54 : f32 to vector<16xf32>
          %mul3A_406 = arith.mulf %add3A_400, %mul3A_405 : vector<16xf32>
          %mul3A_407 = vector.broadcast %scan3A_54 : f32 to vector<16xf32>
          %mul3A_408 = arith.mulf %add3A_404, %mul3A_407 : vector<16xf32>
          %mul3A_409 = arith.mulf %mul3A_406, %mul3A_406 : vector<16xf32>
          %sub3A_410 = arith.subf %mul3A_408, %mul3A_409 : vector<16xf32>
          %add3A_411 = arith.constant 9.99999974E-6 : f32
          %add3A_412 = vector.broadcast %add3A_411 : f32 to vector<16xf32>
          %add3A_413 = arith.addf %sub3A_410, %add3A_412 : vector<16xf32>
          %bitcast3A_414 = vector.bitcast %add3A_413 : vector<16xf32> to vector<16xi32>
          %shift_right_arithmetic3A_415 = arith.constant 1 : i32
          %shift_right_arithmetic3A_416 = vector.broadcast %shift_right_arithmetic3A_415 : i32 to vector<16xi32>
          %shift_right_arithmetic3A_417 = arith.shrsi %bitcast3A_414, %shift_right_arithmetic3A_416 : vector<16xi32>
          %sub3A_418 = arith.constant 1597463007 : i32
          %sub3A_419 = vector.broadcast %sub3A_418 : i32 to vector<16xi32>
          %sub3A_420 = arith.subi %sub3A_419, %shift_right_arithmetic3A_417 : vector<16xi32>
          %bitcast3A_421 = vector.bitcast %sub3A_420 : vector<16xi32> to vector<16xf32>
          %mul3A_422 = arith.constant 5.000000e-01 : f32
          %mul3A_423 = vector.broadcast %mul3A_422 : f32 to vector<16xf32>
          %mul3A_424 = arith.mulf %mul3A_423, %add3A_413 : vector<16xf32>
          %mul3A_425 = arith.mulf %mul3A_424, %bitcast3A_421 : vector<16xf32>
          %mul3A_426 = arith.mulf %mul3A_425, %bitcast3A_421 : vector<16xf32>
          %sub3A_427 = arith.constant 1.500000e+00 : f32
          %sub3A_428 = vector.broadcast %sub3A_427 : f32 to vector<16xf32>
          %sub3A_429 = arith.subf %sub3A_428, %mul3A_426 : vector<16xf32>
          %mul3A_430 = arith.mulf %bitcast3A_421, %sub3A_429 : vector<16xf32>
          %mul3A_431 = arith.mulf %mul3A_424, %mul3A_430 : vector<16xf32>
          %mul3A_432 = arith.mulf %mul3A_431, %mul3A_430 : vector<16xf32>
          %sub3A_433 = arith.constant 1.500000e+00 : f32
          %sub3A_434 = vector.broadcast %sub3A_433 : f32 to vector<16xf32>
          %sub3A_435 = arith.subf %sub3A_434, %mul3A_432 : vector<16xf32>
          %mul3A_436 = arith.mulf %mul3A_430, %sub3A_435 : vector<16xf32>
          %mul3A_437 = arith.mulf %mul3A_424, %mul3A_436 : vector<16xf32>
          %mul3A_438 = arith.mulf %mul3A_437, %mul3A_436 : vector<16xf32>
          %sub3A_439 = arith.constant 1.500000e+00 : f32
          %sub3A_440 = vector.broadcast %sub3A_439 : f32 to vector<16xf32>
          %sub3A_441 = arith.subf %sub3A_440, %mul3A_438 : vector<16xf32>
          %mul3A_442 = arith.mulf %mul3A_436, %sub3A_441 : vector<16xf32>
          %sub3A_443 = arith.subf %get3A_329, %mul3A_406 : vector<16xf32>
          %mul3A_444 = arith.mulf %sub3A_443, %mul3A_442 : vector<16xf32>
          %mul3A_445 = arith.mulf %mul3A_444, %get3A_3 : vector<16xf32>
          %add3A_446 = arith.addf %mul3A_445, %get3A_19 : vector<16xf32>
          %swap3A_447 = arith.index_cast %scan3A_326 : i32 to index
          %swap3A_448 = arith.constant 0 : index
          %swap3A_449 = tpu.vector_load %arg8[%swap3A_447, %swap3A_448] {strides = array<i32>} : memref<128x128xf32, #tpu.memory_space<vmem>>, vector<16xf32>,
          tpu.vector_store %arg8[%swap3A_447, %swap3A_448], %add3A_446 {strides = array<i32>} : memref<128x128xf32, #tpu.memory_space<vmem>>, vector<16xf32>,
          %sub3A_450 = arith.subf %get3A_332, %mul3A_406 : vector<16xf32>
          %mul3A_451 = arith.mulf %sub3A_450, %mul3A_442 : vector<16xf32>
          %mul3A_452 = arith.mulf %mul3A_451, %get3A_5 : vector<16xf32>
          %add3A_453 = arith.addf %mul3A_452, %get3A_21 : vector<16xf32>
          %swap3A_454 = arith.index_cast %scan3A_326 : i32 to index
          %swap3A_455 = arith.constant 16 : index
          %swap3A_456 = tpu.vector_load %arg8[%swap3A_454, %swap3A_455] {strides = array<i32>} : memref<128x128xf32, #tpu.memory_space<vmem>>, vector<16xf32>,
          tpu.vector_store %arg8[%swap3A_454, %swap3A_455], %add3A_453 {strides = array<i32>} : memref<128x128xf32, #tpu.memory_space<vmem>>, vector<16xf32>,
          %sub3A_457 = arith.subf %get3A_335, %mul3A_406 : vector<16xf32>
          %mul3A_458 = arith.mulf %sub3A_457, %mul3A_442 : vector<16xf32>
          %mul3A_459 = arith.mulf %mul3A_458, %get3A_7 : vector<16xf32>
          %add3A_460 = arith.addf %mul3A_459, %get3A_23 : vector<16xf32>
          %swap3A_461 = arith.index_cast %scan3A_326 : i32 to index
          %swap3A_462 = arith.constant 32 : index
          %swap3A_463 = tpu.vector_load %arg8[%swap3A_461, %swap3A_462] {strides = array<i32>} : memref<128x128xf32, #tpu.memory_space<vmem>>, vector<16xf32>,
          tpu.vector_store %arg8[%swap3A_461, %swap3A_462], %add3A_460 {strides = array<i32>} : memref<128x128xf32, #tpu.memory_space<vmem>>, vector<16xf32>,
          %sub3A_464 = arith.subf %get3A_338, %mul3A_406 : vector<16xf32>
          %mul3A_465 = arith.mulf %sub3A_464, %mul3A_442 : vector<16xf32>
          %mul3A_466 = arith.mulf %mul3A_465, %get3A_9 : vector<16xf32>
          %add3A_467 = arith.addf %mul3A_466, %get3A_25 : vector<16xf32>
          %swap3A_468 = arith.index_cast %scan3A_326 : i32 to index
          %swap3A_469 = arith.constant 48 : index
          %swap3A_470 = tpu.vector_load %arg8[%swap3A_468, %swap3A_469] {strides = array<i32>} : memref<128x128xf32, #tpu.memory_space<vmem>>, vector<16xf32>,
          tpu.vector_store %arg8[%swap3A_468, %swap3A_469], %add3A_467 {strides = array<i32>} : memref<128x128xf32, #tpu.memory_space<vmem>>, vector<16xf32>,
          %sub3A_471 = arith.subf %get3A_341, %mul3A_406 : vector<16xf32>
          %mul3A_472 = arith.mulf %sub3A_471, %mul3A_442 : vector<16xf32>
          %mul3A_473 = arith.mulf %mul3A_472, %get3A_11 : vector<16xf32>
          %add3A_474 = arith.addf %mul3A_473, %get3A_27 : vector<16xf32>
          %swap3A_475 = arith.index_cast %scan3A_326 : i32 to index
          %swap3A_476 = arith.constant 64 : index
          %swap3A_477 = tpu.vector_load %arg8[%swap3A_475, %swap3A_476] {strides = array<i32>} : memref<128x128xf32, #tpu.memory_space<vmem>>, vector<16xf32>,
          tpu.vector_store %arg8[%swap3A_475, %swap3A_476], %add3A_474 {strides = array<i32>} : memref<128x128xf32, #tpu.memory_space<vmem>>, vector<16xf32>,
          %sub3A_478 = arith.subf %get3A_344, %mul3A_406 : vector<16xf32>
          %mul3A_479 = arith.mulf %sub3A_478, %mul3A_442 : vector<16xf32>
          %mul3A_480 = arith.mulf %mul3A_479, %get3A_13 : vector<16xf32>
          %add3A_481 = arith.addf %mul3A_480, %get3A_29 : vector<16xf32>
          %swap3A_482 = arith.index_cast %scan3A_326 : i32 to index
          %swap3A_483 = arith.constant 80 : index
          %swap3A_484 = tpu.vector_load %arg8[%swap3A_482, %swap3A_483] {strides = array<i32>} : memref<128x128xf32, #tpu.memory_space<vmem>>, vector<16xf32>,
          tpu.vector_store %arg8[%swap3A_482, %swap3A_483], %add3A_481 {strides = array<i32>} : memref<128x128xf32, #tpu.memory_space<vmem>>, vector<16xf32>,
          %sub3A_485 = arith.subf %get3A_347, %mul3A_406 : vector<16xf32>
          %mul3A_486 = arith.mulf %sub3A_485, %mul3A_442 : vector<16xf32>
          %mul3A_487 = arith.mulf %mul3A_486, %get3A_15 : vector<16xf32>
          %add3A_488 = arith.addf %mul3A_487, %get3A_31 : vector<16xf32>
          %swap3A_489 = arith.index_cast %scan3A_326 : i32 to index
          %swap3A_490 = arith.constant 96 : index
          %swap3A_491 = tpu.vector_load %arg8[%swap3A_489, %swap3A_490] {strides = array<i32>} : memref<128x128xf32, #tpu.memory_space<vmem>>, vector<16xf32>,
          tpu.vector_store %arg8[%swap3A_489, %swap3A_490], %add3A_488 {strides = array<i32>} : memref<128x128xf32, #tpu.memory_space<vmem>>, vector<16xf32>,
          %sub3A_492 = arith.subf %get3A_350, %mul3A_406 : vector<16xf32>
          %mul3A_493 = arith.mulf %sub3A_492, %mul3A_442 : vector<16xf32>
          %mul3A_494 = arith.mulf %mul3A_493, %get3A_17 : vector<16xf32>
          %add3A_495 = arith.addf %mul3A_494, %get3A_33 : vector<16xf32>
          %swap3A_496 = arith.index_cast %scan3A_326 : i32 to index
          %swap3A_497 = arith.constant 112 : index
          %swap3A_498 = tpu.vector_load %arg8[%swap3A_496, %swap3A_497] {strides = array<i32>} : memref<128x128xf32, #tpu.memory_space<vmem>>, vector<16xf32>,
          tpu.vector_store %arg8[%swap3A_496, %swap3A_497], %add3A_495 {strides = array<i32>} : memref<128x128xf32, #tpu.memory_space<vmem>>, vector<16xf32>,
        }
        %scan3A_150 = arith.constant 128 : i32
        %mul3A_151 = arith.constant 128 : i32
        %mul3A_152 = arith.muli %scan3A_77, %mul3A_151 : i32
        %add3A_153 = arith.addi %mul3A_2, %mul3A_152 : i32
        %dma_start3A_154 = arith.constant 0 : i32
        %dma_start3A_155 = tpu.memref_slice %arg6[%add3A_153, %dma_start3A_154] : memref<204800x128xf32, #tpu.memory_space<hbm>> -> memref<128x128xf32, #tpu.memory_space<hbm>>
        %dma_start3A_156 = arith.constant 0 : i32
        %dma_start3A_157 = tpu.memref_slice %arg6[%add3A_153, %dma_start3A_156] : memref<204800x128xf32, #tpu.memory_space<hbm>> -> memref<128x128xf32, #tpu.memory_space<hbm>>
        tpu.enqueue_dma source(%arg8 : memref<128x128xf32, #tpu.memory_space<vmem>>) target(%dma_start3A_157 : memref<128x128xf32, #tpu.memory_space<hbm>>) target_semaphore(%arg16 : memref<!tpu.dma_semaphore, #tpu.memory_space<semaphore_mem>>)
      } else {
      }
      %jit3A_90 = arith.constant 3 : i32
      %eq3A_91 = arith.constant 0 : i32
      %eq3A_92 = arith.cmpi eq, %jit3A_90, %eq3A_91 : i32
      %jit3A_93 = arith.constant 1 : i32
      %select_n3A_94 = arith.select %eq3A_92, %jit3A_93, %jit3A_90 : i32
      %rem3A_95 = arith.remsi %scan3A_77, %select_n3A_94 : i32
      %ne3A_96 = arith.constant 0 : i32
      %ne3A_97 = arith.cmpi ne, %rem3A_95, %ne3A_96 : i32
      %lt3A_98 = arith.constant 0 : i32
      %lt3A_99 = arith.cmpi slt, %rem3A_95, %lt3A_98 : i32
      %lt3A_100 = arith.constant 0 : i32
      %lt3A_101 = arith.cmpi slt, %select_n3A_94, %lt3A_100 : i32
      %ne3A_102 = arith.xori %lt3A_99, %lt3A_101 : i1
      %and3A_103 = arith.andi %ne3A_102, %ne3A_97 : i1
      %add3A_104 = arith.addi %rem3A_95, %select_n3A_94 : i32
      %select_n3A_105 = arith.select %and3A_103, %add3A_104, %rem3A_95 : i32
      %eq3A_106 = arith.constant 1 : i32
      %eq3A_107 = arith.cmpi eq, %select_n3A_105, %eq3A_106 : i32
      %convert_element_type3A_108 = arith.extui %eq3A_107 : i1 to i32
      %cond3A_109 = arith.constant 0 : i32
      %cond3A_110 = arith.cmpi ne, %convert_element_type3A_108, %cond3A_109 : i32
      scf.if %cond3A_110 {
        %add3A_132 = arith.constant 2 : i32
        %add3A_133 = arith.addi %scan3A_77, %add3A_132 : i32
        %lt3A_134 = arith.constant 50 : i32
        %lt3A_135 = arith.cmpi slt, %add3A_133, %lt3A_134 : i32
        %convert_element_type3A_136 = arith.extui %lt3A_135 : i1 to i32
        %cond3A_137 = arith.constant 0 : i32
        %cond3A_138 = arith.cmpi ne, %convert_element_type3A_136, %cond3A_137 : i32
        scf.if %cond3A_138 {
          %ge3A = arith.constant 1 : i32
          %ge3A_158 = arith.cmpi sge, %scan3A_77, %ge3A : i32
          %convert_element_type3A_159 = arith.extui %ge3A_158 : i1 to i32
          %cond3A_160 = arith.constant 0 : i32
          %cond3A_161 = arith.cmpi ne, %convert_element_type3A_159, %cond3A_160 : i32
          scf.if %cond3A_161 {
            %dma_wait3A_170 = arith.constant 0 : i32
            %dma_wait3A_171 = arith.constant 0 : i32
            %dma_wait3A_172 = tpu.memref_slice %arg6[%dma_wait3A_170, %dma_wait3A_171] : memref<204800x128xf32, #tpu.memory_space<hbm>> -> memref<128x128xf32, #tpu.memory_space<hbm>>
            %dma_wait3A_173 = arith.constant 0 : i32
            %dma_wait3A_174 = arith.constant 0 : i32
            %dma_wait3A_175 = tpu.memref_slice %arg6[%dma_wait3A_173, %dma_wait3A_174] : memref<204800x128xf32, #tpu.memory_space<hbm>> -> memref<128x128xf32, #tpu.memory_space<hbm>>
            tpu.wait_dma2 semaphore(%arg16 : memref<!tpu.dma_semaphore, #tpu.memory_space<semaphore_mem>>) src(%arg8 : memref<128x128xf32, #tpu.memory_space<vmem>>) dst(%dma_wait3A_175 : memref<128x128xf32, #tpu.memory_space<hbm>>)
          } else {
          }
          %add3A_162 = arith.constant 2 : i32
          %add3A_163 = arith.addi %scan3A_77, %add3A_162 : i32
          %mul3A_164 = arith.constant 128 : i32
          %mul3A_165 = arith.muli %add3A_163, %mul3A_164 : i32
          %dma_start3A_166 = tpu.memref_slice %arg7[%mul3A_165] : memref<6400xi32, #tpu.memory_space<vmem>> -> memref<128xi32, #tpu.memory_space<vmem>>
          %dma_start3A_167 = arith.constant 0 : i32
          %dma_start3A_168 = arith.constant 0 : i32
          %dma_start3A_169 = tpu.memref_slice %arg3[%dma_start3A_167, %dma_start3A_168] : memref<100000x128xf32, #tpu.memory_space<hbm>> -> memref<100000x128xf32, #tpu.memory_space<hbm>>
          tpu.enqueue_indirect_dma source(%dma_start3A_169 : memref<100000x128xf32, #tpu.memory_space<hbm>>) target(%arg8 : memref<128x128xf32, #tpu.memory_space<vmem>>) offsets(%dma_start3A_166 : memref<128xi32, #tpu.memory_space<vmem>>) semaphore(%arg13 : memref<!tpu.dma_semaphore, #tpu.memory_space<semaphore_mem>>)
        } else {
        }
        %dma_wait3A_139 = arith.constant 0 : i32
        %dma_wait3A_140 = arith.constant 0 : i32
        %dma_wait3A_141 = tpu.memref_slice %arg6[%dma_wait3A_139, %dma_wait3A_140] : memref<204800x128xf32, #tpu.memory_space<hbm>> -> memref<128x128xf32, #tpu.memory_space<hbm>>
        %dma_wait3A_142 = arith.constant 0 : i32
        %dma_wait3A_143 = arith.constant 0 : i32
        %dma_wait3A_144 = tpu.memref_slice %arg6[%dma_wait3A_142, %dma_wait3A_143] : memref<204800x128xf32, #tpu.memory_space<hbm>> -> memref<128x128xf32, #tpu.memory_space<hbm>>
        tpu.wait_dma2 semaphore(%arg14 : memref<!tpu.dma_semaphore, #tpu.memory_space<semaphore_mem>>) src(%dma_wait3A_144 : memref<128x128xf32, #tpu.memory_space<hbm>>) dst(%arg9 : memref<128x128xf32, #tpu.memory_space<vmem>>)
        %scan3A_145 = arith.constant 0 : i32
        %scan3A_146 = arith.constant 0 : i32
        %scan3A_147 = arith.constant 128 : i32
        %scan3A_148 = arith.addi %scan3A_146, %scan3A_147 : i32
        %scan3A_149 = arith.constant 2 : i32
        scf.for %scan3A_158 = %scan3A_146 to %scan3A_148 step %scan3A_149  : i32 {
          %get3A_159 = arith.index_cast %scan3A_158 : i32 to index
          %get3A_160 = arith.constant 0 : index
          %get3A_161 = tpu.vector_load %arg9[%get3A_159, %get3A_160] {strides = array<i32>} : memref<128x128xf32, #tpu.memory_space<vmem>>, vector<16xf32>,
          %get3A_162 = arith.index_cast %scan3A_158 : i32 to index
          %get3A_163 = arith.constant 16 : index
          %get3A_164 = tpu.vector_load %arg9[%get3A_162, %get3A_163] {strides = array<i32>} : memref<128x128xf32, #tpu.memory_space<vmem>>, vector<16xf32>,
          %get3A_165 = arith.index_cast %scan3A_158 : i32 to index
          %get3A_166 = arith.constant 32 : index
          %get3A_167 = tpu.vector_load %arg9[%get3A_165, %get3A_166] {strides = array<i32>} : memref<128x128xf32, #tpu.memory_space<vmem>>, vector<16xf32>,
          %get3A_168 = arith.index_cast %scan3A_158 : i32 to index
          %get3A_169 = arith.constant 48 : index
          %get3A_170 = tpu.vector_load %arg9[%get3A_168, %get3A_169] {strides = array<i32>} : memref<128x128xf32, #tpu.memory_space<vmem>>, vector<16xf32>,
          %get3A_171 = arith.index_cast %scan3A_158 : i32 to index
          %get3A_172 = arith.constant 64 : index
          %get3A_173 = tpu.vector_load %arg9[%get3A_171, %get3A_172] {strides = array<i32>} : memref<128x128xf32, #tpu.memory_space<vmem>>, vector<16xf32>,
          %get3A_174 = arith.index_cast %scan3A_158 : i32 to index
          %get3A_175 = arith.constant 80 : index
          %get3A_176 = tpu.vector_load %arg9[%get3A_174, %get3A_175] {strides = array<i32>} : memref<128x128xf32, #tpu.memory_space<vmem>>, vector<16xf32>,
          %get3A_177 = arith.index_cast %scan3A_158 : i32 to index
          %get3A_178 = arith.constant 96 : index
          %get3A_179 = tpu.vector_load %arg9[%get3A_177, %get3A_178] {strides = array<i32>} : memref<128x128xf32, #tpu.memory_space<vmem>>, vector<16xf32>,
          %get3A_180 = arith.index_cast %scan3A_158 : i32 to index
          %get3A_181 = arith.constant 112 : index
          %get3A_182 = tpu.vector_load %arg9[%get3A_180, %get3A_181] {strides = array<i32>} : memref<128x128xf32, #tpu.memory_space<vmem>>, vector<16xf32>,
          %mul3A_183 = arith.mulf %get3A_161, %get3A_161 : vector<16xf32>
          %mul3A_184 = arith.mulf %get3A_164, %get3A_164 : vector<16xf32>
          %mul3A_185 = arith.mulf %get3A_167, %get3A_167 : vector<16xf32>
          %mul3A_186 = arith.mulf %get3A_170, %get3A_170 : vector<16xf32>
          %mul3A_187 = arith.mulf %get3A_173, %get3A_173 : vector<16xf32>
          %mul3A_188 = arith.mulf %get3A_176, %get3A_176 : vector<16xf32>
          %mul3A_189 = arith.mulf %get3A_179, %get3A_179 : vector<16xf32>
          %mul3A_190 = arith.mulf %get3A_182, %get3A_182 : vector<16xf32>
          %add3A_191 = arith.addf %get3A_161, %get3A_164 : vector<16xf32>
          %add3A_192 = arith.addf %get3A_167, %get3A_170 : vector<16xf32>
          %add3A_193 = arith.addf %get3A_173, %get3A_176 : vector<16xf32>
          %add3A_194 = arith.addf %get3A_179, %get3A_182 : vector<16xf32>
          %add3A_195 = arith.addf %add3A_191, %add3A_192 : vector<16xf32>
          %add3A_196 = arith.addf %add3A_193, %add3A_194 : vector<16xf32>
          %add3A_197 = arith.addf %add3A_195, %add3A_196 : vector<16xf32>
          %add3A_198 = arith.addf %mul3A_183, %mul3A_184 : vector<16xf32>
          %add3A_199 = arith.addf %mul3A_185, %mul3A_186 : vector<16xf32>
          %add3A_200 = arith.addf %mul3A_187, %mul3A_188 : vector<16xf32>
          %add3A_201 = arith.addf %mul3A_189, %mul3A_190 : vector<16xf32>
          %add3A_202 = arith.addf %add3A_198, %add3A_199 : vector<16xf32>
          %add3A_203 = arith.addf %add3A_200, %add3A_201 : vector<16xf32>
          %add3A_204 = arith.addf %add3A_202, %add3A_203 : vector<16xf32>
          %broadcast_in_dim3A = vector.shape_cast %xor3A_35 : vector<16xi32> to vector<16x1xi32>
          %gather3A = vector.shape_cast %broadcast_in_dim3A : vector<16x1xi32> to vector<16xi32>
          %gather3A_205 = tpu.dynamic_gather %add3A_197[%gather3A] in [0] : vector<16xf32>, vector<16xi32> -> vector<16xf32>
          %add3A_206 = arith.addf %add3A_197, %gather3A_205 : vector<16xf32>
          %broadcast_in_dim3A_207 = vector.shape_cast %xor3A_35 : vector<16xi32> to vector<16x1xi32>
          %gather3A_208 = vector.shape_cast %broadcast_in_dim3A_207 : vector<16x1xi32> to vector<16xi32>
          %gather3A_209 = tpu.dynamic_gather %add3A_204[%gather3A_208] in [0] : vector<16xf32>, vector<16xi32> -> vector<16xf32>
          %add3A_210 = arith.addf %add3A_204, %gather3A_209 : vector<16xf32>
          %broadcast_in_dim3A_211 = vector.shape_cast %xor3A_38 : vector<16xi32> to vector<16x1xi32>
          %gather3A_212 = vector.shape_cast %broadcast_in_dim3A_211 : vector<16x1xi32> to vector<16xi32>
          %gather3A_213 = tpu.dynamic_gather %add3A_206[%gather3A_212] in [0] : vector<16xf32>, vector<16xi32> -> vector<16xf32>
          %add3A_214 = arith.addf %add3A_206, %gather3A_213 : vector<16xf32>
          %broadcast_in_dim3A_215 = vector.shape_cast %xor3A_38 : vector<16xi32> to vector<16x1xi32>
          %gather3A_216 = vector.shape_cast %broadcast_in_dim3A_215 : vector<16x1xi32> to vector<16xi32>
          %gather3A_217 = tpu.dynamic_gather %add3A_210[%gather3A_216] in [0] : vector<16xf32>, vector<16xi32> -> vector<16xf32>
          %add3A_218 = arith.addf %add3A_210, %gather3A_217 : vector<16xf32>
          %broadcast_in_dim3A_219 = vector.shape_cast %xor3A_41 : vector<16xi32> to vector<16x1xi32>
          %gather3A_220 = vector.shape_cast %broadcast_in_dim3A_219 : vector<16x1xi32> to vector<16xi32>
          %gather3A_221 = tpu.dynamic_gather %add3A_214[%gather3A_220] in [0] : vector<16xf32>, vector<16xi32> -> vector<16xf32>
          %add3A_222 = arith.addf %add3A_214, %gather3A_221 : vector<16xf32>
          %broadcast_in_dim3A_223 = vector.shape_cast %xor3A_41 : vector<16xi32> to vector<16x1xi32>
          %gather3A_224 = vector.shape_cast %broadcast_in_dim3A_223 : vector<16x1xi32> to vector<16xi32>
          %gather3A_225 = tpu.dynamic_gather %add3A_218[%gather3A_224] in [0] : vector<16xf32>, vector<16xi32> -> vector<16xf32>
          %add3A_226 = arith.addf %add3A_218, %gather3A_225 : vector<16xf32>
          %broadcast_in_dim3A_227 = vector.shape_cast %xor3A_44 : vector<16xi32> to vector<16x1xi32>
          %gather3A_228 = vector.shape_cast %broadcast_in_dim3A_227 : vector<16x1xi32> to vector<16xi32>
          %gather3A_229 = tpu.dynamic_gather %add3A_222[%gather3A_228] in [0] : vector<16xf32>, vector<16xi32> -> vector<16xf32>
          %add3A_230 = arith.addf %add3A_222, %gather3A_229 : vector<16xf32>
          %broadcast_in_dim3A_231 = vector.shape_cast %xor3A_44 : vector<16xi32> to vector<16x1xi32>
          %gather3A_232 = vector.shape_cast %broadcast_in_dim3A_231 : vector<16x1xi32> to vector<16xi32>
          %gather3A_233 = tpu.dynamic_gather %add3A_226[%gather3A_232] in [0] : vector<16xf32>, vector<16xi32> -> vector<16xf32>
          %add3A_234 = arith.addf %add3A_226, %gather3A_233 : vector<16xf32>
          %mul3A_235 = vector.broadcast %scan3A_54 : f32 to vector<16xf32>
          %mul3A_236 = arith.mulf %add3A_230, %mul3A_235 : vector<16xf32>
          %mul3A_237 = vector.broadcast %scan3A_54 : f32 to vector<16xf32>
          %mul3A_238 = arith.mulf %add3A_234, %mul3A_237 : vector<16xf32>
          %mul3A_239 = arith.mulf %mul3A_236, %mul3A_236 : vector<16xf32>
          %sub3A = arith.subf %mul3A_238, %mul3A_239 : vector<16xf32>
          %add3A_240 = arith.constant 9.99999974E-6 : f32
          %add3A_241 = vector.broadcast %add3A_240 : f32 to vector<16xf32>
          %add3A_242 = arith.addf %sub3A, %add3A_241 : vector<16xf32>
          %bitcast3A = vector.bitcast %add3A_242 : vector<16xf32> to vector<16xi32>
          %shift_right_arithmetic3A = arith.constant 1 : i32
          %shift_right_arithmetic3A_243 = vector.broadcast %shift_right_arithmetic3A : i32 to vector<16xi32>
          %shift_right_arithmetic3A_244 = arith.shrsi %bitcast3A, %shift_right_arithmetic3A_243 : vector<16xi32>
          %sub3A_245 = arith.constant 1597463007 : i32
          %sub3A_246 = vector.broadcast %sub3A_245 : i32 to vector<16xi32>
          %sub3A_247 = arith.subi %sub3A_246, %shift_right_arithmetic3A_244 : vector<16xi32>
          %bitcast3A_248 = vector.bitcast %sub3A_247 : vector<16xi32> to vector<16xf32>
          %mul3A_249 = arith.constant 5.000000e-01 : f32
          %mul3A_250 = vector.broadcast %mul3A_249 : f32 to vector<16xf32>
          %mul3A_251 = arith.mulf %mul3A_250, %add3A_242 : vector<16xf32>
          %mul3A_252 = arith.mulf %mul3A_251, %bitcast3A_248 : vector<16xf32>
          %mul3A_253 = arith.mulf %mul3A_252, %bitcast3A_248 : vector<16xf32>
          %sub3A_254 = arith.constant 1.500000e+00 : f32
          %sub3A_255 = vector.broadcast %sub3A_254 : f32 to vector<16xf32>
          %sub3A_256 = arith.subf %sub3A_255, %mul3A_253 : vector<16xf32>
          %mul3A_257 = arith.mulf %bitcast3A_248, %sub3A_256 : vector<16xf32>
          %mul3A_258 = arith.mulf %mul3A_251, %mul3A_257 : vector<16xf32>
          %mul3A_259 = arith.mulf %mul3A_258, %mul3A_257 : vector<16xf32>
          %sub3A_260 = arith.constant 1.500000e+00 : f32
          %sub3A_261 = vector.broadcast %sub3A_260 : f32 to vector<16xf32>
          %sub3A_262 = arith.subf %sub3A_261, %mul3A_259 : vector<16xf32>
          %mul3A_263 = arith.mulf %mul3A_257, %sub3A_262 : vector<16xf32>
          %mul3A_264 = arith.mulf %mul3A_251, %mul3A_263 : vector<16xf32>
          %mul3A_265 = arith.mulf %mul3A_264, %mul3A_263 : vector<16xf32>
          %sub3A_266 = arith.constant 1.500000e+00 : f32
          %sub3A_267 = vector.broadcast %sub3A_266 : f32 to vector<16xf32>
          %sub3A_268 = arith.subf %sub3A_267, %mul3A_265 : vector<16xf32>
          %mul3A_269 = arith.mulf %mul3A_263, %sub3A_268 : vector<16xf32>
          %sub3A_270 = arith.subf %get3A_161, %mul3A_236 : vector<16xf32>
          %mul3A_271 = arith.mulf %sub3A_270, %mul3A_269 : vector<16xf32>
          %mul3A_272 = arith.mulf %mul3A_271, %get3A_3 : vector<16xf32>
          %add3A_273 = arith.addf %mul3A_272, %get3A_19 : vector<16xf32>
          %swap3A = arith.index_cast %scan3A_158 : i32 to index
          %swap3A_274 = arith.constant 0 : index
          %swap3A_275 = tpu.vector_load %arg9[%swap3A, %swap3A_274] {strides = array<i32>} : memref<128x128xf32, #tpu.memory_space<vmem>>, vector<16xf32>,
          tpu.vector_store %arg9[%swap3A, %swap3A_274], %add3A_273 {strides = array<i32>} : memref<128x128xf32, #tpu.memory_space<vmem>>, vector<16xf32>,
          %sub3A_276 = arith.subf %get3A_164, %mul3A_236 : vector<16xf32>
          %mul3A_277 = arith.mulf %sub3A_276, %mul3A_269 : vector<16xf32>
          %mul3A_278 = arith.mulf %mul3A_277, %get3A_5 : vector<16xf32>
          %add3A_279 = arith.addf %mul3A_278, %get3A_21 : vector<16xf32>
          %swap3A_280 = arith.index_cast %scan3A_158 : i32 to index
          %swap3A_281 = arith.constant 16 : index
          %swap3A_282 = tpu.vector_load %arg9[%swap3A_280, %swap3A_281] {strides = array<i32>} : memref<128x128xf32, #tpu.memory_space<vmem>>, vector<16xf32>,
          tpu.vector_store %arg9[%swap3A_280, %swap3A_281], %add3A_279 {strides = array<i32>} : memref<128x128xf32, #tpu.memory_space<vmem>>, vector<16xf32>,
          %sub3A_283 = arith.subf %get3A_167, %mul3A_236 : vector<16xf32>
          %mul3A_284 = arith.mulf %sub3A_283, %mul3A_269 : vector<16xf32>
          %mul3A_285 = arith.mulf %mul3A_284, %get3A_7 : vector<16xf32>
          %add3A_286 = arith.addf %mul3A_285, %get3A_23 : vector<16xf32>
          %swap3A_287 = arith.index_cast %scan3A_158 : i32 to index
          %swap3A_288 = arith.constant 32 : index
          %swap3A_289 = tpu.vector_load %arg9[%swap3A_287, %swap3A_288] {strides = array<i32>} : memref<128x128xf32, #tpu.memory_space<vmem>>, vector<16xf32>,
          tpu.vector_store %arg9[%swap3A_287, %swap3A_288], %add3A_286 {strides = array<i32>} : memref<128x128xf32, #tpu.memory_space<vmem>>, vector<16xf32>,
          %sub3A_290 = arith.subf %get3A_170, %mul3A_236 : vector<16xf32>
          %mul3A_291 = arith.mulf %sub3A_290, %mul3A_269 : vector<16xf32>
          %mul3A_292 = arith.mulf %mul3A_291, %get3A_9 : vector<16xf32>
          %add3A_293 = arith.addf %mul3A_292, %get3A_25 : vector<16xf32>
          %swap3A_294 = arith.index_cast %scan3A_158 : i32 to index
          %swap3A_295 = arith.constant 48 : index
          %swap3A_296 = tpu.vector_load %arg9[%swap3A_294, %swap3A_295] {strides = array<i32>} : memref<128x128xf32, #tpu.memory_space<vmem>>, vector<16xf32>,
          tpu.vector_store %arg9[%swap3A_294, %swap3A_295], %add3A_293 {strides = array<i32>} : memref<128x128xf32, #tpu.memory_space<vmem>>, vector<16xf32>,
          %sub3A_297 = arith.subf %get3A_173, %mul3A_236 : vector<16xf32>
          %mul3A_298 = arith.mulf %sub3A_297, %mul3A_269 : vector<16xf32>
          %mul3A_299 = arith.mulf %mul3A_298, %get3A_11 : vector<16xf32>
          %add3A_300 = arith.addf %mul3A_299, %get3A_27 : vector<16xf32>
          %swap3A_301 = arith.index_cast %scan3A_158 : i32 to index
          %swap3A_302 = arith.constant 64 : index
          %swap3A_303 = tpu.vector_load %arg9[%swap3A_301, %swap3A_302] {strides = array<i32>} : memref<128x128xf32, #tpu.memory_space<vmem>>, vector<16xf32>,
          tpu.vector_store %arg9[%swap3A_301, %swap3A_302], %add3A_300 {strides = array<i32>} : memref<128x128xf32, #tpu.memory_space<vmem>>, vector<16xf32>,
          %sub3A_304 = arith.subf %get3A_176, %mul3A_236 : vector<16xf32>
          %mul3A_305 = arith.mulf %sub3A_304, %mul3A_269 : vector<16xf32>
          %mul3A_306 = arith.mulf %mul3A_305, %get3A_13 : vector<16xf32>
          %add3A_307 = arith.addf %mul3A_306, %get3A_29 : vector<16xf32>
          %swap3A_308 = arith.index_cast %scan3A_158 : i32 to index
          %swap3A_309 = arith.constant 80 : index
          %swap3A_310 = tpu.vector_load %arg9[%swap3A_308, %swap3A_309] {strides = array<i32>} : memref<128x128xf32, #tpu.memory_space<vmem>>, vector<16xf32>,
          tpu.vector_store %arg9[%swap3A_308, %swap3A_309], %add3A_307 {strides = array<i32>} : memref<128x128xf32, #tpu.memory_space<vmem>>, vector<16xf32>,
          %sub3A_311 = arith.subf %get3A_179, %mul3A_236 : vector<16xf32>
          %mul3A_312 = arith.mulf %sub3A_311, %mul3A_269 : vector<16xf32>
          %mul3A_313 = arith.mulf %mul3A_312, %get3A_15 : vector<16xf32>
          %add3A_314 = arith.addf %mul3A_313, %get3A_31 : vector<16xf32>
          %swap3A_315 = arith.index_cast %scan3A_158 : i32 to index
          %swap3A_316 = arith.constant 96 : index
          %swap3A_317 = tpu.vector_load %arg9[%swap3A_315, %swap3A_316] {strides = array<i32>} : memref<128x128xf32, #tpu.memory_space<vmem>>, vector<16xf32>,
          tpu.vector_store %arg9[%swap3A_315, %swap3A_316], %add3A_314 {strides = array<i32>} : memref<128x128xf32, #tpu.memory_space<vmem>>, vector<16xf32>,
          %sub3A_318 = arith.subf %get3A_182, %mul3A_236 : vector<16xf32>
          %mul3A_319 = arith.mulf %sub3A_318, %mul3A_269 : vector<16xf32>
          %mul3A_320 = arith.mulf %mul3A_319, %get3A_17 : vector<16xf32>
          %add3A_321 = arith.addf %mul3A_320, %get3A_33 : vector<16xf32>
          %swap3A_322 = arith.index_cast %scan3A_158 : i32 to index
          %swap3A_323 = arith.constant 112 : index
          %swap3A_324 = tpu.vector_load %arg9[%swap3A_322, %swap3A_323] {strides = array<i32>} : memref<128x128xf32, #tpu.memory_space<vmem>>, vector<16xf32>,
          tpu.vector_store %arg9[%swap3A_322, %swap3A_323], %add3A_321 {strides = array<i32>} : memref<128x128xf32, #tpu.memory_space<vmem>>, vector<16xf32>,
          %scan3A_325 = arith.constant 1 : i32
          %scan3A_326 = arith.addi %scan3A_158, %scan3A_325 : i32
          %get3A_327 = arith.index_cast %scan3A_326 : i32 to index
          %get3A_328 = arith.constant 0 : index
          %get3A_329 = tpu.vector_load %arg9[%get3A_327, %get3A_328] {strides = array<i32>} : memref<128x128xf32, #tpu.memory_space<vmem>>, vector<16xf32>,
          %get3A_330 = arith.index_cast %scan3A_326 : i32 to index
          %get3A_331 = arith.constant 16 : index
          %get3A_332 = tpu.vector_load %arg9[%get3A_330, %get3A_331] {strides = array<i32>} : memref<128x128xf32, #tpu.memory_space<vmem>>, vector<16xf32>,
          %get3A_333 = arith.index_cast %scan3A_326 : i32 to index
          %get3A_334 = arith.constant 32 : index
          %get3A_335 = tpu.vector_load %arg9[%get3A_333, %get3A_334] {strides = array<i32>} : memref<128x128xf32, #tpu.memory_space<vmem>>, vector<16xf32>,
          %get3A_336 = arith.index_cast %scan3A_326 : i32 to index
          %get3A_337 = arith.constant 48 : index
          %get3A_338 = tpu.vector_load %arg9[%get3A_336, %get3A_337] {strides = array<i32>} : memref<128x128xf32, #tpu.memory_space<vmem>>, vector<16xf32>,
          %get3A_339 = arith.index_cast %scan3A_326 : i32 to index
          %get3A_340 = arith.constant 64 : index
          %get3A_341 = tpu.vector_load %arg9[%get3A_339, %get3A_340] {strides = array<i32>} : memref<128x128xf32, #tpu.memory_space<vmem>>, vector<16xf32>,
          %get3A_342 = arith.index_cast %scan3A_326 : i32 to index
          %get3A_343 = arith.constant 80 : index
          %get3A_344 = tpu.vector_load %arg9[%get3A_342, %get3A_343] {strides = array<i32>} : memref<128x128xf32, #tpu.memory_space<vmem>>, vector<16xf32>,
          %get3A_345 = arith.index_cast %scan3A_326 : i32 to index
          %get3A_346 = arith.constant 96 : index
          %get3A_347 = tpu.vector_load %arg9[%get3A_345, %get3A_346] {strides = array<i32>} : memref<128x128xf32, #tpu.memory_space<vmem>>, vector<16xf32>,
          %get3A_348 = arith.index_cast %scan3A_326 : i32 to index
          %get3A_349 = arith.constant 112 : index
          %get3A_350 = tpu.vector_load %arg9[%get3A_348, %get3A_349] {strides = array<i32>} : memref<128x128xf32, #tpu.memory_space<vmem>>, vector<16xf32>,
          %mul3A_351 = arith.mulf %get3A_329, %get3A_329 : vector<16xf32>
          %mul3A_352 = arith.mulf %get3A_332, %get3A_332 : vector<16xf32>
          %mul3A_353 = arith.mulf %get3A_335, %get3A_335 : vector<16xf32>
          %mul3A_354 = arith.mulf %get3A_338, %get3A_338 : vector<16xf32>
          %mul3A_355 = arith.mulf %get3A_341, %get3A_341 : vector<16xf32>
          %mul3A_356 = arith.mulf %get3A_344, %get3A_344 : vector<16xf32>
          %mul3A_357 = arith.mulf %get3A_347, %get3A_347 : vector<16xf32>
          %mul3A_358 = arith.mulf %get3A_350, %get3A_350 : vector<16xf32>
          %add3A_359 = arith.addf %get3A_329, %get3A_332 : vector<16xf32>
          %add3A_360 = arith.addf %get3A_335, %get3A_338 : vector<16xf32>
          %add3A_361 = arith.addf %get3A_341, %get3A_344 : vector<16xf32>
          %add3A_362 = arith.addf %get3A_347, %get3A_350 : vector<16xf32>
          %add3A_363 = arith.addf %add3A_359, %add3A_360 : vector<16xf32>
          %add3A_364 = arith.addf %add3A_361, %add3A_362 : vector<16xf32>
          %add3A_365 = arith.addf %add3A_363, %add3A_364 : vector<16xf32>
          %add3A_366 = arith.addf %mul3A_351, %mul3A_352 : vector<16xf32>
          %add3A_367 = arith.addf %mul3A_353, %mul3A_354 : vector<16xf32>
          %add3A_368 = arith.addf %mul3A_355, %mul3A_356 : vector<16xf32>
          %add3A_369 = arith.addf %mul3A_357, %mul3A_358 : vector<16xf32>
          %add3A_370 = arith.addf %add3A_366, %add3A_367 : vector<16xf32>
          %add3A_371 = arith.addf %add3A_368, %add3A_369 : vector<16xf32>
          %add3A_372 = arith.addf %add3A_370, %add3A_371 : vector<16xf32>
          %broadcast_in_dim3A_373 = vector.shape_cast %xor3A_35 : vector<16xi32> to vector<16x1xi32>
          %gather3A_374 = vector.shape_cast %broadcast_in_dim3A_373 : vector<16x1xi32> to vector<16xi32>
          %gather3A_375 = tpu.dynamic_gather %add3A_365[%gather3A_374] in [0] : vector<16xf32>, vector<16xi32> -> vector<16xf32>
          %add3A_376 = arith.addf %add3A_365, %gather3A_375 : vector<16xf32>
          %broadcast_in_dim3A_377 = vector.shape_cast %xor3A_35 : vector<16xi32> to vector<16x1xi32>
          %gather3A_378 = vector.shape_cast %broadcast_in_dim3A_377 : vector<16x1xi32> to vector<16xi32>
          %gather3A_379 = tpu.dynamic_gather %add3A_372[%gather3A_378] in [0] : vector<16xf32>, vector<16xi32> -> vector<16xf32>
          %add3A_380 = arith.addf %add3A_372, %gather3A_379 : vector<16xf32>
          %broadcast_in_dim3A_381 = vector.shape_cast %xor3A_38 : vector<16xi32> to vector<16x1xi32>
          %gather3A_382 = vector.shape_cast %broadcast_in_dim3A_381 : vector<16x1xi32> to vector<16xi32>
          %gather3A_383 = tpu.dynamic_gather %add3A_376[%gather3A_382] in [0] : vector<16xf32>, vector<16xi32> -> vector<16xf32>
          %add3A_384 = arith.addf %add3A_376, %gather3A_383 : vector<16xf32>
          %broadcast_in_dim3A_385 = vector.shape_cast %xor3A_38 : vector<16xi32> to vector<16x1xi32>
          %gather3A_386 = vector.shape_cast %broadcast_in_dim3A_385 : vector<16x1xi32> to vector<16xi32>
          %gather3A_387 = tpu.dynamic_gather %add3A_380[%gather3A_386] in [0] : vector<16xf32>, vector<16xi32> -> vector<16xf32>
          %add3A_388 = arith.addf %add3A_380, %gather3A_387 : vector<16xf32>
          %broadcast_in_dim3A_389 = vector.shape_cast %xor3A_41 : vector<16xi32> to vector<16x1xi32>
          %gather3A_390 = vector.shape_cast %broadcast_in_dim3A_389 : vector<16x1xi32> to vector<16xi32>
          %gather3A_391 = tpu.dynamic_gather %add3A_384[%gather3A_390] in [0] : vector<16xf32>, vector<16xi32> -> vector<16xf32>
          %add3A_392 = arith.addf %add3A_384, %gather3A_391 : vector<16xf32>
          %broadcast_in_dim3A_393 = vector.shape_cast %xor3A_41 : vector<16xi32> to vector<16x1xi32>
          %gather3A_394 = vector.shape_cast %broadcast_in_dim3A_393 : vector<16x1xi32> to vector<16xi32>
          %gather3A_395 = tpu.dynamic_gather %add3A_388[%gather3A_394] in [0] : vector<16xf32>, vector<16xi32> -> vector<16xf32>
          %add3A_396 = arith.addf %add3A_388, %gather3A_395 : vector<16xf32>
          %broadcast_in_dim3A_397 = vector.shape_cast %xor3A_44 : vector<16xi32> to vector<16x1xi32>
          %gather3A_398 = vector.shape_cast %broadcast_in_dim3A_397 : vector<16x1xi32> to vector<16xi32>
          %gather3A_399 = tpu.dynamic_gather %add3A_392[%gather3A_398] in [0] : vector<16xf32>, vector<16xi32> -> vector<16xf32>
          %add3A_400 = arith.addf %add3A_392, %gather3A_399 : vector<16xf32>
          %broadcast_in_dim3A_401 = vector.shape_cast %xor3A_44 : vector<16xi32> to vector<16x1xi32>
          %gather3A_402 = vector.shape_cast %broadcast_in_dim3A_401 : vector<16x1xi32> to vector<16xi32>
          %gather3A_403 = tpu.dynamic_gather %add3A_396[%gather3A_402] in [0] : vector<16xf32>, vector<16xi32> -> vector<16xf32>
          %add3A_404 = arith.addf %add3A_396, %gather3A_403 : vector<16xf32>
          %mul3A_405 = vector.broadcast %scan3A_54 : f32 to vector<16xf32>
          %mul3A_406 = arith.mulf %add3A_400, %mul3A_405 : vector<16xf32>
          %mul3A_407 = vector.broadcast %scan3A_54 : f32 to vector<16xf32>
          %mul3A_408 = arith.mulf %add3A_404, %mul3A_407 : vector<16xf32>
          %mul3A_409 = arith.mulf %mul3A_406, %mul3A_406 : vector<16xf32>
          %sub3A_410 = arith.subf %mul3A_408, %mul3A_409 : vector<16xf32>
          %add3A_411 = arith.constant 9.99999974E-6 : f32
          %add3A_412 = vector.broadcast %add3A_411 : f32 to vector<16xf32>
          %add3A_413 = arith.addf %sub3A_410, %add3A_412 : vector<16xf32>
          %bitcast3A_414 = vector.bitcast %add3A_413 : vector<16xf32> to vector<16xi32>
          %shift_right_arithmetic3A_415 = arith.constant 1 : i32
          %shift_right_arithmetic3A_416 = vector.broadcast %shift_right_arithmetic3A_415 : i32 to vector<16xi32>
          %shift_right_arithmetic3A_417 = arith.shrsi %bitcast3A_414, %shift_right_arithmetic3A_416 : vector<16xi32>
          %sub3A_418 = arith.constant 1597463007 : i32
          %sub3A_419 = vector.broadcast %sub3A_418 : i32 to vector<16xi32>
          %sub3A_420 = arith.subi %sub3A_419, %shift_right_arithmetic3A_417 : vector<16xi32>
          %bitcast3A_421 = vector.bitcast %sub3A_420 : vector<16xi32> to vector<16xf32>
          %mul3A_422 = arith.constant 5.000000e-01 : f32
          %mul3A_423 = vector.broadcast %mul3A_422 : f32 to vector<16xf32>
          %mul3A_424 = arith.mulf %mul3A_423, %add3A_413 : vector<16xf32>
          %mul3A_425 = arith.mulf %mul3A_424, %bitcast3A_421 : vector<16xf32>
          %mul3A_426 = arith.mulf %mul3A_425, %bitcast3A_421 : vector<16xf32>
          %sub3A_427 = arith.constant 1.500000e+00 : f32
          %sub3A_428 = vector.broadcast %sub3A_427 : f32 to vector<16xf32>
          %sub3A_429 = arith.subf %sub3A_428, %mul3A_426 : vector<16xf32>
          %mul3A_430 = arith.mulf %bitcast3A_421, %sub3A_429 : vector<16xf32>
          %mul3A_431 = arith.mulf %mul3A_424, %mul3A_430 : vector<16xf32>
          %mul3A_432 = arith.mulf %mul3A_431, %mul3A_430 : vector<16xf32>
          %sub3A_433 = arith.constant 1.500000e+00 : f32
          %sub3A_434 = vector.broadcast %sub3A_433 : f32 to vector<16xf32>
          %sub3A_435 = arith.subf %sub3A_434, %mul3A_432 : vector<16xf32>
          %mul3A_436 = arith.mulf %mul3A_430, %sub3A_435 : vector<16xf32>
          %mul3A_437 = arith.mulf %mul3A_424, %mul3A_436 : vector<16xf32>
          %mul3A_438 = arith.mulf %mul3A_437, %mul3A_436 : vector<16xf32>
          %sub3A_439 = arith.constant 1.500000e+00 : f32
          %sub3A_440 = vector.broadcast %sub3A_439 : f32 to vector<16xf32>
          %sub3A_441 = arith.subf %sub3A_440, %mul3A_438 : vector<16xf32>
          %mul3A_442 = arith.mulf %mul3A_436, %sub3A_441 : vector<16xf32>
          %sub3A_443 = arith.subf %get3A_329, %mul3A_406 : vector<16xf32>
          %mul3A_444 = arith.mulf %sub3A_443, %mul3A_442 : vector<16xf32>
          %mul3A_445 = arith.mulf %mul3A_444, %get3A_3 : vector<16xf32>
          %add3A_446 = arith.addf %mul3A_445, %get3A_19 : vector<16xf32>
          %swap3A_447 = arith.index_cast %scan3A_326 : i32 to index
          %swap3A_448 = arith.constant 0 : index
          %swap3A_449 = tpu.vector_load %arg9[%swap3A_447, %swap3A_448] {strides = array<i32>} : memref<128x128xf32, #tpu.memory_space<vmem>>, vector<16xf32>,
          tpu.vector_store %arg9[%swap3A_447, %swap3A_448], %add3A_446 {strides = array<i32>} : memref<128x128xf32, #tpu.memory_space<vmem>>, vector<16xf32>,
          %sub3A_450 = arith.subf %get3A_332, %mul3A_406 : vector<16xf32>
          %mul3A_451 = arith.mulf %sub3A_450, %mul3A_442 : vector<16xf32>
          %mul3A_452 = arith.mulf %mul3A_451, %get3A_5 : vector<16xf32>
          %add3A_453 = arith.addf %mul3A_452, %get3A_21 : vector<16xf32>
          %swap3A_454 = arith.index_cast %scan3A_326 : i32 to index
          %swap3A_455 = arith.constant 16 : index
          %swap3A_456 = tpu.vector_load %arg9[%swap3A_454, %swap3A_455] {strides = array<i32>} : memref<128x128xf32, #tpu.memory_space<vmem>>, vector<16xf32>,
          tpu.vector_store %arg9[%swap3A_454, %swap3A_455], %add3A_453 {strides = array<i32>} : memref<128x128xf32, #tpu.memory_space<vmem>>, vector<16xf32>,
          %sub3A_457 = arith.subf %get3A_335, %mul3A_406 : vector<16xf32>
          %mul3A_458 = arith.mulf %sub3A_457, %mul3A_442 : vector<16xf32>
          %mul3A_459 = arith.mulf %mul3A_458, %get3A_7 : vector<16xf32>
          %add3A_460 = arith.addf %mul3A_459, %get3A_23 : vector<16xf32>
          %swap3A_461 = arith.index_cast %scan3A_326 : i32 to index
          %swap3A_462 = arith.constant 32 : index
          %swap3A_463 = tpu.vector_load %arg9[%swap3A_461, %swap3A_462] {strides = array<i32>} : memref<128x128xf32, #tpu.memory_space<vmem>>, vector<16xf32>,
          tpu.vector_store %arg9[%swap3A_461, %swap3A_462], %add3A_460 {strides = array<i32>} : memref<128x128xf32, #tpu.memory_space<vmem>>, vector<16xf32>,
          %sub3A_464 = arith.subf %get3A_338, %mul3A_406 : vector<16xf32>
          %mul3A_465 = arith.mulf %sub3A_464, %mul3A_442 : vector<16xf32>
          %mul3A_466 = arith.mulf %mul3A_465, %get3A_9 : vector<16xf32>
          %add3A_467 = arith.addf %mul3A_466, %get3A_25 : vector<16xf32>
          %swap3A_468 = arith.index_cast %scan3A_326 : i32 to index
          %swap3A_469 = arith.constant 48 : index
          %swap3A_470 = tpu.vector_load %arg9[%swap3A_468, %swap3A_469] {strides = array<i32>} : memref<128x128xf32, #tpu.memory_space<vmem>>, vector<16xf32>,
          tpu.vector_store %arg9[%swap3A_468, %swap3A_469], %add3A_467 {strides = array<i32>} : memref<128x128xf32, #tpu.memory_space<vmem>>, vector<16xf32>,
          %sub3A_471 = arith.subf %get3A_341, %mul3A_406 : vector<16xf32>
          %mul3A_472 = arith.mulf %sub3A_471, %mul3A_442 : vector<16xf32>
          %mul3A_473 = arith.mulf %mul3A_472, %get3A_11 : vector<16xf32>
          %add3A_474 = arith.addf %mul3A_473, %get3A_27 : vector<16xf32>
          %swap3A_475 = arith.index_cast %scan3A_326 : i32 to index
          %swap3A_476 = arith.constant 64 : index
          %swap3A_477 = tpu.vector_load %arg9[%swap3A_475, %swap3A_476] {strides = array<i32>} : memref<128x128xf32, #tpu.memory_space<vmem>>, vector<16xf32>,
          tpu.vector_store %arg9[%swap3A_475, %swap3A_476], %add3A_474 {strides = array<i32>} : memref<128x128xf32, #tpu.memory_space<vmem>>, vector<16xf32>,
          %sub3A_478 = arith.subf %get3A_344, %mul3A_406 : vector<16xf32>
          %mul3A_479 = arith.mulf %sub3A_478, %mul3A_442 : vector<16xf32>
          %mul3A_480 = arith.mulf %mul3A_479, %get3A_13 : vector<16xf32>
          %add3A_481 = arith.addf %mul3A_480, %get3A_29 : vector<16xf32>
          %swap3A_482 = arith.index_cast %scan3A_326 : i32 to index
          %swap3A_483 = arith.constant 80 : index
          %swap3A_484 = tpu.vector_load %arg9[%swap3A_482, %swap3A_483] {strides = array<i32>} : memref<128x128xf32, #tpu.memory_space<vmem>>, vector<16xf32>,
          tpu.vector_store %arg9[%swap3A_482, %swap3A_483], %add3A_481 {strides = array<i32>} : memref<128x128xf32, #tpu.memory_space<vmem>>, vector<16xf32>,
          %sub3A_485 = arith.subf %get3A_347, %mul3A_406 : vector<16xf32>
          %mul3A_486 = arith.mulf %sub3A_485, %mul3A_442 : vector<16xf32>
          %mul3A_487 = arith.mulf %mul3A_486, %get3A_15 : vector<16xf32>
          %add3A_488 = arith.addf %mul3A_487, %get3A_31 : vector<16xf32>
          %swap3A_489 = arith.index_cast %scan3A_326 : i32 to index
          %swap3A_490 = arith.constant 96 : index
          %swap3A_491 = tpu.vector_load %arg9[%swap3A_489, %swap3A_490] {strides = array<i32>} : memref<128x128xf32, #tpu.memory_space<vmem>>, vector<16xf32>,
          tpu.vector_store %arg9[%swap3A_489, %swap3A_490], %add3A_488 {strides = array<i32>} : memref<128x128xf32, #tpu.memory_space<vmem>>, vector<16xf32>,
          %sub3A_492 = arith.subf %get3A_350, %mul3A_406 : vector<16xf32>
          %mul3A_493 = arith.mulf %sub3A_492, %mul3A_442 : vector<16xf32>
          %mul3A_494 = arith.mulf %mul3A_493, %get3A_17 : vector<16xf32>
          %add3A_495 = arith.addf %mul3A_494, %get3A_33 : vector<16xf32>
          %swap3A_496 = arith.index_cast %scan3A_326 : i32 to index
          %swap3A_497 = arith.constant 112 : index
          %swap3A_498 = tpu.vector_load %arg9[%swap3A_496, %swap3A_497] {strides = array<i32>} : memref<128x128xf32, #tpu.memory_space<vmem>>, vector<16xf32>,
          tpu.vector_store %arg9[%swap3A_496, %swap3A_497], %add3A_495 {strides = array<i32>} : memref<128x128xf32, #tpu.memory_space<vmem>>, vector<16xf32>,
        }
        %scan3A_150 = arith.constant 128 : i32
        %mul3A_151 = arith.constant 128 : i32
        %mul3A_152 = arith.muli %scan3A_77, %mul3A_151 : i32
        %add3A_153 = arith.addi %mul3A_2, %mul3A_152 : i32
        %dma_start3A_154 = arith.constant 0 : i32
        %dma_start3A_155 = tpu.memref_slice %arg6[%add3A_153, %dma_start3A_154] : memref<204800x128xf32, #tpu.memory_space<hbm>> -> memref<128x128xf32, #tpu.memory_space<hbm>>
        %dma_start3A_156 = arith.constant 0 : i32
        %dma_start3A_157 = tpu.memref_slice %arg6[%add3A_153, %dma_start3A_156] : memref<204800x128xf32, #tpu.memory_space<hbm>> -> memref<128x128xf32, #tpu.memory_space<hbm>>
        tpu.enqueue_dma source(%arg9 : memref<128x128xf32, #tpu.memory_space<vmem>>) target(%dma_start3A_157 : memref<128x128xf32, #tpu.memory_space<hbm>>) target_semaphore(%arg17 : memref<!tpu.dma_semaphore, #tpu.memory_space<semaphore_mem>>)
      } else {
      }
      %jit3A_111 = arith.constant 3 : i32
      %eq3A_112 = arith.constant 0 : i32
      %eq3A_113 = arith.cmpi eq, %jit3A_111, %eq3A_112 : i32
      %jit3A_114 = arith.constant 1 : i32
      %select_n3A_115 = arith.select %eq3A_113, %jit3A_114, %jit3A_111 : i32
      %rem3A_116 = arith.remsi %scan3A_77, %select_n3A_115 : i32
      %ne3A_117 = arith.constant 0 : i32
      %ne3A_118 = arith.cmpi ne, %rem3A_116, %ne3A_117 : i32
      %lt3A_119 = arith.constant 0 : i32
      %lt3A_120 = arith.cmpi slt, %rem3A_116, %lt3A_119 : i32
      %lt3A_121 = arith.constant 0 : i32
      %lt3A_122 = arith.cmpi slt, %select_n3A_115, %lt3A_121 : i32
      %ne3A_123 = arith.xori %lt3A_120, %lt3A_122 : i1
      %and3A_124 = arith.andi %ne3A_123, %ne3A_118 : i1
      %add3A_125 = arith.addi %rem3A_116, %select_n3A_115 : i32
      %select_n3A_126 = arith.select %and3A_124, %add3A_125, %rem3A_116 : i32
      %eq3A_127 = arith.constant 2 : i32
      %eq3A_128 = arith.cmpi eq, %select_n3A_126, %eq3A_127 : i32
      %convert_element_type3A_129 = arith.extui %eq3A_128 : i1 to i32
      %cond3A_130 = arith.constant 0 : i32
      %cond3A_131 = arith.cmpi ne, %convert_element_type3A_129, %cond3A_130 : i32
      scf.if %cond3A_131 {
        %add3A_132 = arith.constant 2 : i32
        %add3A_133 = arith.addi %scan3A_77, %add3A_132 : i32
        %lt3A_134 = arith.constant 50 : i32
        %lt3A_135 = arith.cmpi slt, %add3A_133, %lt3A_134 : i32
        %convert_element_type3A_136 = arith.extui %lt3A_135 : i1 to i32
        %cond3A_137 = arith.constant 0 : i32
        %cond3A_138 = arith.cmpi ne, %convert_element_type3A_136, %cond3A_137 : i32
        scf.if %cond3A_138 {
          %ge3A = arith.constant 1 : i32
          %ge3A_158 = arith.cmpi sge, %scan3A_77, %ge3A : i32
          %convert_element_type3A_159 = arith.extui %ge3A_158 : i1 to i32
          %cond3A_160 = arith.constant 0 : i32
          %cond3A_161 = arith.cmpi ne, %convert_element_type3A_159, %cond3A_160 : i32
          scf.if %cond3A_161 {
            %dma_wait3A_170 = arith.constant 0 : i32
            %dma_wait3A_171 = arith.constant 0 : i32
            %dma_wait3A_172 = tpu.memref_slice %arg6[%dma_wait3A_170, %dma_wait3A_171] : memref<204800x128xf32, #tpu.memory_space<hbm>> -> memref<128x128xf32, #tpu.memory_space<hbm>>
            %dma_wait3A_173 = arith.constant 0 : i32
            %dma_wait3A_174 = arith.constant 0 : i32
            %dma_wait3A_175 = tpu.memref_slice %arg6[%dma_wait3A_173, %dma_wait3A_174] : memref<204800x128xf32, #tpu.memory_space<hbm>> -> memref<128x128xf32, #tpu.memory_space<hbm>>
            tpu.wait_dma2 semaphore(%arg17 : memref<!tpu.dma_semaphore, #tpu.memory_space<semaphore_mem>>) src(%arg9 : memref<128x128xf32, #tpu.memory_space<vmem>>) dst(%dma_wait3A_175 : memref<128x128xf32, #tpu.memory_space<hbm>>)
          } else {
          }
          %add3A_162 = arith.constant 2 : i32
          %add3A_163 = arith.addi %scan3A_77, %add3A_162 : i32
          %mul3A_164 = arith.constant 128 : i32
          %mul3A_165 = arith.muli %add3A_163, %mul3A_164 : i32
          %dma_start3A_166 = tpu.memref_slice %arg7[%mul3A_165] : memref<6400xi32, #tpu.memory_space<vmem>> -> memref<128xi32, #tpu.memory_space<vmem>>
          %dma_start3A_167 = arith.constant 0 : i32
          %dma_start3A_168 = arith.constant 0 : i32
          %dma_start3A_169 = tpu.memref_slice %arg3[%dma_start3A_167, %dma_start3A_168] : memref<100000x128xf32, #tpu.memory_space<hbm>> -> memref<100000x128xf32, #tpu.memory_space<hbm>>
          tpu.enqueue_indirect_dma source(%dma_start3A_169 : memref<100000x128xf32, #tpu.memory_space<hbm>>) target(%arg9 : memref<128x128xf32, #tpu.memory_space<vmem>>) offsets(%dma_start3A_166 : memref<128xi32, #tpu.memory_space<vmem>>) semaphore(%arg14 : memref<!tpu.dma_semaphore, #tpu.memory_space<semaphore_mem>>)
        } else {
        }
        %dma_wait3A_139 = arith.constant 0 : i32
        %dma_wait3A_140 = arith.constant 0 : i32
        %dma_wait3A_141 = tpu.memref_slice %arg6[%dma_wait3A_139, %dma_wait3A_140] : memref<204800x128xf32, #tpu.memory_space<hbm>> -> memref<128x128xf32, #tpu.memory_space<hbm>>
        %dma_wait3A_142 = arith.constant 0 : i32
        %dma_wait3A_143 = arith.constant 0 : i32
        %dma_wait3A_144 = tpu.memref_slice %arg6[%dma_wait3A_142, %dma_wait3A_143] : memref<204800x128xf32, #tpu.memory_space<hbm>> -> memref<128x128xf32, #tpu.memory_space<hbm>>
        tpu.wait_dma2 semaphore(%arg15 : memref<!tpu.dma_semaphore, #tpu.memory_space<semaphore_mem>>) src(%dma_wait3A_144 : memref<128x128xf32, #tpu.memory_space<hbm>>) dst(%arg10 : memref<128x128xf32, #tpu.memory_space<vmem>>)
        %scan3A_145 = arith.constant 0 : i32
        %scan3A_146 = arith.constant 0 : i32
        %scan3A_147 = arith.constant 128 : i32
        %scan3A_148 = arith.addi %scan3A_146, %scan3A_147 : i32
        %scan3A_149 = arith.constant 2 : i32
        scf.for %scan3A_158 = %scan3A_146 to %scan3A_148 step %scan3A_149  : i32 {
          %get3A_159 = arith.index_cast %scan3A_158 : i32 to index
          %get3A_160 = arith.constant 0 : index
          %get3A_161 = tpu.vector_load %arg10[%get3A_159, %get3A_160] {strides = array<i32>} : memref<128x128xf32, #tpu.memory_space<vmem>>, vector<16xf32>,
          %get3A_162 = arith.index_cast %scan3A_158 : i32 to index
          %get3A_163 = arith.constant 16 : index
          %get3A_164 = tpu.vector_load %arg10[%get3A_162, %get3A_163] {strides = array<i32>} : memref<128x128xf32, #tpu.memory_space<vmem>>, vector<16xf32>,
          %get3A_165 = arith.index_cast %scan3A_158 : i32 to index
          %get3A_166 = arith.constant 32 : index
          %get3A_167 = tpu.vector_load %arg10[%get3A_165, %get3A_166] {strides = array<i32>} : memref<128x128xf32, #tpu.memory_space<vmem>>, vector<16xf32>,
          %get3A_168 = arith.index_cast %scan3A_158 : i32 to index
          %get3A_169 = arith.constant 48 : index
          %get3A_170 = tpu.vector_load %arg10[%get3A_168, %get3A_169] {strides = array<i32>} : memref<128x128xf32, #tpu.memory_space<vmem>>, vector<16xf32>,
          %get3A_171 = arith.index_cast %scan3A_158 : i32 to index
          %get3A_172 = arith.constant 64 : index
          %get3A_173 = tpu.vector_load %arg10[%get3A_171, %get3A_172] {strides = array<i32>} : memref<128x128xf32, #tpu.memory_space<vmem>>, vector<16xf32>,
          %get3A_174 = arith.index_cast %scan3A_158 : i32 to index
          %get3A_175 = arith.constant 80 : index
          %get3A_176 = tpu.vector_load %arg10[%get3A_174, %get3A_175] {strides = array<i32>} : memref<128x128xf32, #tpu.memory_space<vmem>>, vector<16xf32>,
          %get3A_177 = arith.index_cast %scan3A_158 : i32 to index
          %get3A_178 = arith.constant 96 : index
          %get3A_179 = tpu.vector_load %arg10[%get3A_177, %get3A_178] {strides = array<i32>} : memref<128x128xf32, #tpu.memory_space<vmem>>, vector<16xf32>,
          %get3A_180 = arith.index_cast %scan3A_158 : i32 to index
          %get3A_181 = arith.constant 112 : index
          %get3A_182 = tpu.vector_load %arg10[%get3A_180, %get3A_181] {strides = array<i32>} : memref<128x128xf32, #tpu.memory_space<vmem>>, vector<16xf32>,
          %mul3A_183 = arith.mulf %get3A_161, %get3A_161 : vector<16xf32>
          %mul3A_184 = arith.mulf %get3A_164, %get3A_164 : vector<16xf32>
          %mul3A_185 = arith.mulf %get3A_167, %get3A_167 : vector<16xf32>
          %mul3A_186 = arith.mulf %get3A_170, %get3A_170 : vector<16xf32>
          %mul3A_187 = arith.mulf %get3A_173, %get3A_173 : vector<16xf32>
          %mul3A_188 = arith.mulf %get3A_176, %get3A_176 : vector<16xf32>
          %mul3A_189 = arith.mulf %get3A_179, %get3A_179 : vector<16xf32>
          %mul3A_190 = arith.mulf %get3A_182, %get3A_182 : vector<16xf32>
          %add3A_191 = arith.addf %get3A_161, %get3A_164 : vector<16xf32>
          %add3A_192 = arith.addf %get3A_167, %get3A_170 : vector<16xf32>
          %add3A_193 = arith.addf %get3A_173, %get3A_176 : vector<16xf32>
          %add3A_194 = arith.addf %get3A_179, %get3A_182 : vector<16xf32>
          %add3A_195 = arith.addf %add3A_191, %add3A_192 : vector<16xf32>
          %add3A_196 = arith.addf %add3A_193, %add3A_194 : vector<16xf32>
          %add3A_197 = arith.addf %add3A_195, %add3A_196 : vector<16xf32>
          %add3A_198 = arith.addf %mul3A_183, %mul3A_184 : vector<16xf32>
          %add3A_199 = arith.addf %mul3A_185, %mul3A_186 : vector<16xf32>
          %add3A_200 = arith.addf %mul3A_187, %mul3A_188 : vector<16xf32>
          %add3A_201 = arith.addf %mul3A_189, %mul3A_190 : vector<16xf32>
          %add3A_202 = arith.addf %add3A_198, %add3A_199 : vector<16xf32>
          %add3A_203 = arith.addf %add3A_200, %add3A_201 : vector<16xf32>
          %add3A_204 = arith.addf %add3A_202, %add3A_203 : vector<16xf32>
          %broadcast_in_dim3A = vector.shape_cast %xor3A_35 : vector<16xi32> to vector<16x1xi32>
          %gather3A = vector.shape_cast %broadcast_in_dim3A : vector<16x1xi32> to vector<16xi32>
          %gather3A_205 = tpu.dynamic_gather %add3A_197[%gather3A] in [0] : vector<16xf32>, vector<16xi32> -> vector<16xf32>
          %add3A_206 = arith.addf %add3A_197, %gather3A_205 : vector<16xf32>
          %broadcast_in_dim3A_207 = vector.shape_cast %xor3A_35 : vector<16xi32> to vector<16x1xi32>
          %gather3A_208 = vector.shape_cast %broadcast_in_dim3A_207 : vector<16x1xi32> to vector<16xi32>
          %gather3A_209 = tpu.dynamic_gather %add3A_204[%gather3A_208] in [0] : vector<16xf32>, vector<16xi32> -> vector<16xf32>
          %add3A_210 = arith.addf %add3A_204, %gather3A_209 : vector<16xf32>
          %broadcast_in_dim3A_211 = vector.shape_cast %xor3A_38 : vector<16xi32> to vector<16x1xi32>
          %gather3A_212 = vector.shape_cast %broadcast_in_dim3A_211 : vector<16x1xi32> to vector<16xi32>
          %gather3A_213 = tpu.dynamic_gather %add3A_206[%gather3A_212] in [0] : vector<16xf32>, vector<16xi32> -> vector<16xf32>
          %add3A_214 = arith.addf %add3A_206, %gather3A_213 : vector<16xf32>
          %broadcast_in_dim3A_215 = vector.shape_cast %xor3A_38 : vector<16xi32> to vector<16x1xi32>
          %gather3A_216 = vector.shape_cast %broadcast_in_dim3A_215 : vector<16x1xi32> to vector<16xi32>
          %gather3A_217 = tpu.dynamic_gather %add3A_210[%gather3A_216] in [0] : vector<16xf32>, vector<16xi32> -> vector<16xf32>
          %add3A_218 = arith.addf %add3A_210, %gather3A_217 : vector<16xf32>
          %broadcast_in_dim3A_219 = vector.shape_cast %xor3A_41 : vector<16xi32> to vector<16x1xi32>
          %gather3A_220 = vector.shape_cast %broadcast_in_dim3A_219 : vector<16x1xi32> to vector<16xi32>
          %gather3A_221 = tpu.dynamic_gather %add3A_214[%gather3A_220] in [0] : vector<16xf32>, vector<16xi32> -> vector<16xf32>
          %add3A_222 = arith.addf %add3A_214, %gather3A_221 : vector<16xf32>
          %broadcast_in_dim3A_223 = vector.shape_cast %xor3A_41 : vector<16xi32> to vector<16x1xi32>
          %gather3A_224 = vector.shape_cast %broadcast_in_dim3A_223 : vector<16x1xi32> to vector<16xi32>
          %gather3A_225 = tpu.dynamic_gather %add3A_218[%gather3A_224] in [0] : vector<16xf32>, vector<16xi32> -> vector<16xf32>
          %add3A_226 = arith.addf %add3A_218, %gather3A_225 : vector<16xf32>
          %broadcast_in_dim3A_227 = vector.shape_cast %xor3A_44 : vector<16xi32> to vector<16x1xi32>
          %gather3A_228 = vector.shape_cast %broadcast_in_dim3A_227 : vector<16x1xi32> to vector<16xi32>
          %gather3A_229 = tpu.dynamic_gather %add3A_222[%gather3A_228] in [0] : vector<16xf32>, vector<16xi32> -> vector<16xf32>
          %add3A_230 = arith.addf %add3A_222, %gather3A_229 : vector<16xf32>
          %broadcast_in_dim3A_231 = vector.shape_cast %xor3A_44 : vector<16xi32> to vector<16x1xi32>
          %gather3A_232 = vector.shape_cast %broadcast_in_dim3A_231 : vector<16x1xi32> to vector<16xi32>
          %gather3A_233 = tpu.dynamic_gather %add3A_226[%gather3A_232] in [0] : vector<16xf32>, vector<16xi32> -> vector<16xf32>
          %add3A_234 = arith.addf %add3A_226, %gather3A_233 : vector<16xf32>
          %mul3A_235 = vector.broadcast %scan3A_54 : f32 to vector<16xf32>
          %mul3A_236 = arith.mulf %add3A_230, %mul3A_235 : vector<16xf32>
          %mul3A_237 = vector.broadcast %scan3A_54 : f32 to vector<16xf32>
          %mul3A_238 = arith.mulf %add3A_234, %mul3A_237 : vector<16xf32>
          %mul3A_239 = arith.mulf %mul3A_236, %mul3A_236 : vector<16xf32>
          %sub3A = arith.subf %mul3A_238, %mul3A_239 : vector<16xf32>
          %add3A_240 = arith.constant 9.99999974E-6 : f32
          %add3A_241 = vector.broadcast %add3A_240 : f32 to vector<16xf32>
          %add3A_242 = arith.addf %sub3A, %add3A_241 : vector<16xf32>
          %bitcast3A = vector.bitcast %add3A_242 : vector<16xf32> to vector<16xi32>
          %shift_right_arithmetic3A = arith.constant 1 : i32
          %shift_right_arithmetic3A_243 = vector.broadcast %shift_right_arithmetic3A : i32 to vector<16xi32>
          %shift_right_arithmetic3A_244 = arith.shrsi %bitcast3A, %shift_right_arithmetic3A_243 : vector<16xi32>
          %sub3A_245 = arith.constant 1597463007 : i32
          %sub3A_246 = vector.broadcast %sub3A_245 : i32 to vector<16xi32>
          %sub3A_247 = arith.subi %sub3A_246, %shift_right_arithmetic3A_244 : vector<16xi32>
          %bitcast3A_248 = vector.bitcast %sub3A_247 : vector<16xi32> to vector<16xf32>
          %mul3A_249 = arith.constant 5.000000e-01 : f32
          %mul3A_250 = vector.broadcast %mul3A_249 : f32 to vector<16xf32>
          %mul3A_251 = arith.mulf %mul3A_250, %add3A_242 : vector<16xf32>
          %mul3A_252 = arith.mulf %mul3A_251, %bitcast3A_248 : vector<16xf32>
          %mul3A_253 = arith.mulf %mul3A_252, %bitcast3A_248 : vector<16xf32>
          %sub3A_254 = arith.constant 1.500000e+00 : f32
          %sub3A_255 = vector.broadcast %sub3A_254 : f32 to vector<16xf32>
          %sub3A_256 = arith.subf %sub3A_255, %mul3A_253 : vector<16xf32>
          %mul3A_257 = arith.mulf %bitcast3A_248, %sub3A_256 : vector<16xf32>
          %mul3A_258 = arith.mulf %mul3A_251, %mul3A_257 : vector<16xf32>
          %mul3A_259 = arith.mulf %mul3A_258, %mul3A_257 : vector<16xf32>
          %sub3A_260 = arith.constant 1.500000e+00 : f32
          %sub3A_261 = vector.broadcast %sub3A_260 : f32 to vector<16xf32>
          %sub3A_262 = arith.subf %sub3A_261, %mul3A_259 : vector<16xf32>
          %mul3A_263 = arith.mulf %mul3A_257, %sub3A_262 : vector<16xf32>
          %mul3A_264 = arith.mulf %mul3A_251, %mul3A_263 : vector<16xf32>
          %mul3A_265 = arith.mulf %mul3A_264, %mul3A_263 : vector<16xf32>
          %sub3A_266 = arith.constant 1.500000e+00 : f32
          %sub3A_267 = vector.broadcast %sub3A_266 : f32 to vector<16xf32>
          %sub3A_268 = arith.subf %sub3A_267, %mul3A_265 : vector<16xf32>
          %mul3A_269 = arith.mulf %mul3A_263, %sub3A_268 : vector<16xf32>
          %sub3A_270 = arith.subf %get3A_161, %mul3A_236 : vector<16xf32>
          %mul3A_271 = arith.mulf %sub3A_270, %mul3A_269 : vector<16xf32>
          %mul3A_272 = arith.mulf %mul3A_271, %get3A_3 : vector<16xf32>
          %add3A_273 = arith.addf %mul3A_272, %get3A_19 : vector<16xf32>
          %swap3A = arith.index_cast %scan3A_158 : i32 to index
          %swap3A_274 = arith.constant 0 : index
          %swap3A_275 = tpu.vector_load %arg10[%swap3A, %swap3A_274] {strides = array<i32>} : memref<128x128xf32, #tpu.memory_space<vmem>>, vector<16xf32>,
          tpu.vector_store %arg10[%swap3A, %swap3A_274], %add3A_273 {strides = array<i32>} : memref<128x128xf32, #tpu.memory_space<vmem>>, vector<16xf32>,
          %sub3A_276 = arith.subf %get3A_164, %mul3A_236 : vector<16xf32>
          %mul3A_277 = arith.mulf %sub3A_276, %mul3A_269 : vector<16xf32>
          %mul3A_278 = arith.mulf %mul3A_277, %get3A_5 : vector<16xf32>
          %add3A_279 = arith.addf %mul3A_278, %get3A_21 : vector<16xf32>
          %swap3A_280 = arith.index_cast %scan3A_158 : i32 to index
          %swap3A_281 = arith.constant 16 : index
          %swap3A_282 = tpu.vector_load %arg10[%swap3A_280, %swap3A_281] {strides = array<i32>} : memref<128x128xf32, #tpu.memory_space<vmem>>, vector<16xf32>,
          tpu.vector_store %arg10[%swap3A_280, %swap3A_281], %add3A_279 {strides = array<i32>} : memref<128x128xf32, #tpu.memory_space<vmem>>, vector<16xf32>,
          %sub3A_283 = arith.subf %get3A_167, %mul3A_236 : vector<16xf32>
          %mul3A_284 = arith.mulf %sub3A_283, %mul3A_269 : vector<16xf32>
          %mul3A_285 = arith.mulf %mul3A_284, %get3A_7 : vector<16xf32>
          %add3A_286 = arith.addf %mul3A_285, %get3A_23 : vector<16xf32>
          %swap3A_287 = arith.index_cast %scan3A_158 : i32 to index
          %swap3A_288 = arith.constant 32 : index
          %swap3A_289 = tpu.vector_load %arg10[%swap3A_287, %swap3A_288] {strides = array<i32>} : memref<128x128xf32, #tpu.memory_space<vmem>>, vector<16xf32>,
          tpu.vector_store %arg10[%swap3A_287, %swap3A_288], %add3A_286 {strides = array<i32>} : memref<128x128xf32, #tpu.memory_space<vmem>>, vector<16xf32>,
          %sub3A_290 = arith.subf %get3A_170, %mul3A_236 : vector<16xf32>
          %mul3A_291 = arith.mulf %sub3A_290, %mul3A_269 : vector<16xf32>
          %mul3A_292 = arith.mulf %mul3A_291, %get3A_9 : vector<16xf32>
          %add3A_293 = arith.addf %mul3A_292, %get3A_25 : vector<16xf32>
          %swap3A_294 = arith.index_cast %scan3A_158 : i32 to index
          %swap3A_295 = arith.constant 48 : index
          %swap3A_296 = tpu.vector_load %arg10[%swap3A_294, %swap3A_295] {strides = array<i32>} : memref<128x128xf32, #tpu.memory_space<vmem>>, vector<16xf32>,
          tpu.vector_store %arg10[%swap3A_294, %swap3A_295], %add3A_293 {strides = array<i32>} : memref<128x128xf32, #tpu.memory_space<vmem>>, vector<16xf32>,
          %sub3A_297 = arith.subf %get3A_173, %mul3A_236 : vector<16xf32>
          %mul3A_298 = arith.mulf %sub3A_297, %mul3A_269 : vector<16xf32>
          %mul3A_299 = arith.mulf %mul3A_298, %get3A_11 : vector<16xf32>
          %add3A_300 = arith.addf %mul3A_299, %get3A_27 : vector<16xf32>
          %swap3A_301 = arith.index_cast %scan3A_158 : i32 to index
          %swap3A_302 = arith.constant 64 : index
          %swap3A_303 = tpu.vector_load %arg10[%swap3A_301, %swap3A_302] {strides = array<i32>} : memref<128x128xf32, #tpu.memory_space<vmem>>, vector<16xf32>,
          tpu.vector_store %arg10[%swap3A_301, %swap3A_302], %add3A_300 {strides = array<i32>} : memref<128x128xf32, #tpu.memory_space<vmem>>, vector<16xf32>,
          %sub3A_304 = arith.subf %get3A_176, %mul3A_236 : vector<16xf32>
          %mul3A_305 = arith.mulf %sub3A_304, %mul3A_269 : vector<16xf32>
          %mul3A_306 = arith.mulf %mul3A_305, %get3A_13 : vector<16xf32>
          %add3A_307 = arith.addf %mul3A_306, %get3A_29 : vector<16xf32>
          %swap3A_308 = arith.index_cast %scan3A_158 : i32 to index
          %swap3A_309 = arith.constant 80 : index
          %swap3A_310 = tpu.vector_load %arg10[%swap3A_308, %swap3A_309] {strides = array<i32>} : memref<128x128xf32, #tpu.memory_space<vmem>>, vector<16xf32>,
          tpu.vector_store %arg10[%swap3A_308, %swap3A_309], %add3A_307 {strides = array<i32>} : memref<128x128xf32, #tpu.memory_space<vmem>>, vector<16xf32>,
          %sub3A_311 = arith.subf %get3A_179, %mul3A_236 : vector<16xf32>
          %mul3A_312 = arith.mulf %sub3A_311, %mul3A_269 : vector<16xf32>
          %mul3A_313 = arith.mulf %mul3A_312, %get3A_15 : vector<16xf32>
          %add3A_314 = arith.addf %mul3A_313, %get3A_31 : vector<16xf32>
          %swap3A_315 = arith.index_cast %scan3A_158 : i32 to index
          %swap3A_316 = arith.constant 96 : index
          %swap3A_317 = tpu.vector_load %arg10[%swap3A_315, %swap3A_316] {strides = array<i32>} : memref<128x128xf32, #tpu.memory_space<vmem>>, vector<16xf32>,
          tpu.vector_store %arg10[%swap3A_315, %swap3A_316], %add3A_314 {strides = array<i32>} : memref<128x128xf32, #tpu.memory_space<vmem>>, vector<16xf32>,
          %sub3A_318 = arith.subf %get3A_182, %mul3A_236 : vector<16xf32>
          %mul3A_319 = arith.mulf %sub3A_318, %mul3A_269 : vector<16xf32>
          %mul3A_320 = arith.mulf %mul3A_319, %get3A_17 : vector<16xf32>
          %add3A_321 = arith.addf %mul3A_320, %get3A_33 : vector<16xf32>
          %swap3A_322 = arith.index_cast %scan3A_158 : i32 to index
          %swap3A_323 = arith.constant 112 : index
          %swap3A_324 = tpu.vector_load %arg10[%swap3A_322, %swap3A_323] {strides = array<i32>} : memref<128x128xf32, #tpu.memory_space<vmem>>, vector<16xf32>,
          tpu.vector_store %arg10[%swap3A_322, %swap3A_323], %add3A_321 {strides = array<i32>} : memref<128x128xf32, #tpu.memory_space<vmem>>, vector<16xf32>,
          %scan3A_325 = arith.constant 1 : i32
          %scan3A_326 = arith.addi %scan3A_158, %scan3A_325 : i32
          %get3A_327 = arith.index_cast %scan3A_326 : i32 to index
          %get3A_328 = arith.constant 0 : index
          %get3A_329 = tpu.vector_load %arg10[%get3A_327, %get3A_328] {strides = array<i32>} : memref<128x128xf32, #tpu.memory_space<vmem>>, vector<16xf32>,
          %get3A_330 = arith.index_cast %scan3A_326 : i32 to index
          %get3A_331 = arith.constant 16 : index
          %get3A_332 = tpu.vector_load %arg10[%get3A_330, %get3A_331] {strides = array<i32>} : memref<128x128xf32, #tpu.memory_space<vmem>>, vector<16xf32>,
          %get3A_333 = arith.index_cast %scan3A_326 : i32 to index
          %get3A_334 = arith.constant 32 : index
          %get3A_335 = tpu.vector_load %arg10[%get3A_333, %get3A_334] {strides = array<i32>} : memref<128x128xf32, #tpu.memory_space<vmem>>, vector<16xf32>,
          %get3A_336 = arith.index_cast %scan3A_326 : i32 to index
          %get3A_337 = arith.constant 48 : index
          %get3A_338 = tpu.vector_load %arg10[%get3A_336, %get3A_337] {strides = array<i32>} : memref<128x128xf32, #tpu.memory_space<vmem>>, vector<16xf32>,
          %get3A_339 = arith.index_cast %scan3A_326 : i32 to index
          %get3A_340 = arith.constant 64 : index
          %get3A_341 = tpu.vector_load %arg10[%get3A_339, %get3A_340] {strides = array<i32>} : memref<128x128xf32, #tpu.memory_space<vmem>>, vector<16xf32>,
          %get3A_342 = arith.index_cast %scan3A_326 : i32 to index
          %get3A_343 = arith.constant 80 : index
          %get3A_344 = tpu.vector_load %arg10[%get3A_342, %get3A_343] {strides = array<i32>} : memref<128x128xf32, #tpu.memory_space<vmem>>, vector<16xf32>,
          %get3A_345 = arith.index_cast %scan3A_326 : i32 to index
          %get3A_346 = arith.constant 96 : index
          %get3A_347 = tpu.vector_load %arg10[%get3A_345, %get3A_346] {strides = array<i32>} : memref<128x128xf32, #tpu.memory_space<vmem>>, vector<16xf32>,
          %get3A_348 = arith.index_cast %scan3A_326 : i32 to index
          %get3A_349 = arith.constant 112 : index
          %get3A_350 = tpu.vector_load %arg10[%get3A_348, %get3A_349] {strides = array<i32>} : memref<128x128xf32, #tpu.memory_space<vmem>>, vector<16xf32>,
          %mul3A_351 = arith.mulf %get3A_329, %get3A_329 : vector<16xf32>
          %mul3A_352 = arith.mulf %get3A_332, %get3A_332 : vector<16xf32>
          %mul3A_353 = arith.mulf %get3A_335, %get3A_335 : vector<16xf32>
          %mul3A_354 = arith.mulf %get3A_338, %get3A_338 : vector<16xf32>
          %mul3A_355 = arith.mulf %get3A_341, %get3A_341 : vector<16xf32>
          %mul3A_356 = arith.mulf %get3A_344, %get3A_344 : vector<16xf32>
          %mul3A_357 = arith.mulf %get3A_347, %get3A_347 : vector<16xf32>
          %mul3A_358 = arith.mulf %get3A_350, %get3A_350 : vector<16xf32>
          %add3A_359 = arith.addf %get3A_329, %get3A_332 : vector<16xf32>
          %add3A_360 = arith.addf %get3A_335, %get3A_338 : vector<16xf32>
          %add3A_361 = arith.addf %get3A_341, %get3A_344 : vector<16xf32>
          %add3A_362 = arith.addf %get3A_347, %get3A_350 : vector<16xf32>
          %add3A_363 = arith.addf %add3A_359, %add3A_360 : vector<16xf32>
          %add3A_364 = arith.addf %add3A_361, %add3A_362 : vector<16xf32>
          %add3A_365 = arith.addf %add3A_363, %add3A_364 : vector<16xf32>
          %add3A_366 = arith.addf %mul3A_351, %mul3A_352 : vector<16xf32>
          %add3A_367 = arith.addf %mul3A_353, %mul3A_354 : vector<16xf32>
          %add3A_368 = arith.addf %mul3A_355, %mul3A_356 : vector<16xf32>
          %add3A_369 = arith.addf %mul3A_357, %mul3A_358 : vector<16xf32>
          %add3A_370 = arith.addf %add3A_366, %add3A_367 : vector<16xf32>
          %add3A_371 = arith.addf %add3A_368, %add3A_369 : vector<16xf32>
          %add3A_372 = arith.addf %add3A_370, %add3A_371 : vector<16xf32>
          %broadcast_in_dim3A_373 = vector.shape_cast %xor3A_35 : vector<16xi32> to vector<16x1xi32>
          %gather3A_374 = vector.shape_cast %broadcast_in_dim3A_373 : vector<16x1xi32> to vector<16xi32>
          %gather3A_375 = tpu.dynamic_gather %add3A_365[%gather3A_374] in [0] : vector<16xf32>, vector<16xi32> -> vector<16xf32>
          %add3A_376 = arith.addf %add3A_365, %gather3A_375 : vector<16xf32>
          %broadcast_in_dim3A_377 = vector.shape_cast %xor3A_35 : vector<16xi32> to vector<16x1xi32>
          %gather3A_378 = vector.shape_cast %broadcast_in_dim3A_377 : vector<16x1xi32> to vector<16xi32>
          %gather3A_379 = tpu.dynamic_gather %add3A_372[%gather3A_378] in [0] : vector<16xf32>, vector<16xi32> -> vector<16xf32>
          %add3A_380 = arith.addf %add3A_372, %gather3A_379 : vector<16xf32>
          %broadcast_in_dim3A_381 = vector.shape_cast %xor3A_38 : vector<16xi32> to vector<16x1xi32>
          %gather3A_382 = vector.shape_cast %broadcast_in_dim3A_381 : vector<16x1xi32> to vector<16xi32>
          %gather3A_383 = tpu.dynamic_gather %add3A_376[%gather3A_382] in [0] : vector<16xf32>, vector<16xi32> -> vector<16xf32>
          %add3A_384 = arith.addf %add3A_376, %gather3A_383 : vector<16xf32>
          %broadcast_in_dim3A_385 = vector.shape_cast %xor3A_38 : vector<16xi32> to vector<16x1xi32>
          %gather3A_386 = vector.shape_cast %broadcast_in_dim3A_385 : vector<16x1xi32> to vector<16xi32>
          %gather3A_387 = tpu.dynamic_gather %add3A_380[%gather3A_386] in [0] : vector<16xf32>, vector<16xi32> -> vector<16xf32>
          %add3A_388 = arith.addf %add3A_380, %gather3A_387 : vector<16xf32>
          %broadcast_in_dim3A_389 = vector.shape_cast %xor3A_41 : vector<16xi32> to vector<16x1xi32>
          %gather3A_390 = vector.shape_cast %broadcast_in_dim3A_389 : vector<16x1xi32> to vector<16xi32>
          %gather3A_391 = tpu.dynamic_gather %add3A_384[%gather3A_390] in [0] : vector<16xf32>, vector<16xi32> -> vector<16xf32>
          %add3A_392 = arith.addf %add3A_384, %gather3A_391 : vector<16xf32>
          %broadcast_in_dim3A_393 = vector.shape_cast %xor3A_41 : vector<16xi32> to vector<16x1xi32>
          %gather3A_394 = vector.shape_cast %broadcast_in_dim3A_393 : vector<16x1xi32> to vector<16xi32>
          %gather3A_395 = tpu.dynamic_gather %add3A_388[%gather3A_394] in [0] : vector<16xf32>, vector<16xi32> -> vector<16xf32>
          %add3A_396 = arith.addf %add3A_388, %gather3A_395 : vector<16xf32>
          %broadcast_in_dim3A_397 = vector.shape_cast %xor3A_44 : vector<16xi32> to vector<16x1xi32>
          %gather3A_398 = vector.shape_cast %broadcast_in_dim3A_397 : vector<16x1xi32> to vector<16xi32>
          %gather3A_399 = tpu.dynamic_gather %add3A_392[%gather3A_398] in [0] : vector<16xf32>, vector<16xi32> -> vector<16xf32>
          %add3A_400 = arith.addf %add3A_392, %gather3A_399 : vector<16xf32>
          %broadcast_in_dim3A_401 = vector.shape_cast %xor3A_44 : vector<16xi32> to vector<16x1xi32>
          %gather3A_402 = vector.shape_cast %broadcast_in_dim3A_401 : vector<16x1xi32> to vector<16xi32>
          %gather3A_403 = tpu.dynamic_gather %add3A_396[%gather3A_402] in [0] : vector<16xf32>, vector<16xi32> -> vector<16xf32>
          %add3A_404 = arith.addf %add3A_396, %gather3A_403 : vector<16xf32>
          %mul3A_405 = vector.broadcast %scan3A_54 : f32 to vector<16xf32>
          %mul3A_406 = arith.mulf %add3A_400, %mul3A_405 : vector<16xf32>
          %mul3A_407 = vector.broadcast %scan3A_54 : f32 to vector<16xf32>
          %mul3A_408 = arith.mulf %add3A_404, %mul3A_407 : vector<16xf32>
          %mul3A_409 = arith.mulf %mul3A_406, %mul3A_406 : vector<16xf32>
          %sub3A_410 = arith.subf %mul3A_408, %mul3A_409 : vector<16xf32>
          %add3A_411 = arith.constant 9.99999974E-6 : f32
          %add3A_412 = vector.broadcast %add3A_411 : f32 to vector<16xf32>
          %add3A_413 = arith.addf %sub3A_410, %add3A_412 : vector<16xf32>
          %bitcast3A_414 = vector.bitcast %add3A_413 : vector<16xf32> to vector<16xi32>
          %shift_right_arithmetic3A_415 = arith.constant 1 : i32
          %shift_right_arithmetic3A_416 = vector.broadcast %shift_right_arithmetic3A_415 : i32 to vector<16xi32>
          %shift_right_arithmetic3A_417 = arith.shrsi %bitcast3A_414, %shift_right_arithmetic3A_416 : vector<16xi32>
          %sub3A_418 = arith.constant 1597463007 : i32
          %sub3A_419 = vector.broadcast %sub3A_418 : i32 to vector<16xi32>
          %sub3A_420 = arith.subi %sub3A_419, %shift_right_arithmetic3A_417 : vector<16xi32>
          %bitcast3A_421 = vector.bitcast %sub3A_420 : vector<16xi32> to vector<16xf32>
          %mul3A_422 = arith.constant 5.000000e-01 : f32
          %mul3A_423 = vector.broadcast %mul3A_422 : f32 to vector<16xf32>
          %mul3A_424 = arith.mulf %mul3A_423, %add3A_413 : vector<16xf32>
          %mul3A_425 = arith.mulf %mul3A_424, %bitcast3A_421 : vector<16xf32>
          %mul3A_426 = arith.mulf %mul3A_425, %bitcast3A_421 : vector<16xf32>
          %sub3A_427 = arith.constant 1.500000e+00 : f32
          %sub3A_428 = vector.broadcast %sub3A_427 : f32 to vector<16xf32>
          %sub3A_429 = arith.subf %sub3A_428, %mul3A_426 : vector<16xf32>
          %mul3A_430 = arith.mulf %bitcast3A_421, %sub3A_429 : vector<16xf32>
          %mul3A_431 = arith.mulf %mul3A_424, %mul3A_430 : vector<16xf32>
          %mul3A_432 = arith.mulf %mul3A_431, %mul3A_430 : vector<16xf32>
          %sub3A_433 = arith.constant 1.500000e+00 : f32
          %sub3A_434 = vector.broadcast %sub3A_433 : f32 to vector<16xf32>
          %sub3A_435 = arith.subf %sub3A_434, %mul3A_432 : vector<16xf32>
          %mul3A_436 = arith.mulf %mul3A_430, %sub3A_435 : vector<16xf32>
          %mul3A_437 = arith.mulf %mul3A_424, %mul3A_436 : vector<16xf32>
          %mul3A_438 = arith.mulf %mul3A_437, %mul3A_436 : vector<16xf32>
          %sub3A_439 = arith.constant 1.500000e+00 : f32
          %sub3A_440 = vector.broadcast %sub3A_439 : f32 to vector<16xf32>
          %sub3A_441 = arith.subf %sub3A_440, %mul3A_438 : vector<16xf32>
          %mul3A_442 = arith.mulf %mul3A_436, %sub3A_441 : vector<16xf32>
          %sub3A_443 = arith.subf %get3A_329, %mul3A_406 : vector<16xf32>
          %mul3A_444 = arith.mulf %sub3A_443, %mul3A_442 : vector<16xf32>
          %mul3A_445 = arith.mulf %mul3A_444, %get3A_3 : vector<16xf32>
          %add3A_446 = arith.addf %mul3A_445, %get3A_19 : vector<16xf32>
          %swap3A_447 = arith.index_cast %scan3A_326 : i32 to index
          %swap3A_448 = arith.constant 0 : index
          %swap3A_449 = tpu.vector_load %arg10[%swap3A_447, %swap3A_448] {strides = array<i32>} : memref<128x128xf32, #tpu.memory_space<vmem>>, vector<16xf32>,
          tpu.vector_store %arg10[%swap3A_447, %swap3A_448], %add3A_446 {strides = array<i32>} : memref<128x128xf32, #tpu.memory_space<vmem>>, vector<16xf32>,
          %sub3A_450 = arith.subf %get3A_332, %mul3A_406 : vector<16xf32>
          %mul3A_451 = arith.mulf %sub3A_450, %mul3A_442 : vector<16xf32>
          %mul3A_452 = arith.mulf %mul3A_451, %get3A_5 : vector<16xf32>
          %add3A_453 = arith.addf %mul3A_452, %get3A_21 : vector<16xf32>
          %swap3A_454 = arith.index_cast %scan3A_326 : i32 to index
          %swap3A_455 = arith.constant 16 : index
          %swap3A_456 = tpu.vector_load %arg10[%swap3A_454, %swap3A_455] {strides = array<i32>} : memref<128x128xf32, #tpu.memory_space<vmem>>, vector<16xf32>,
          tpu.vector_store %arg10[%swap3A_454, %swap3A_455], %add3A_453 {strides = array<i32>} : memref<128x128xf32, #tpu.memory_space<vmem>>, vector<16xf32>,
          %sub3A_457 = arith.subf %get3A_335, %mul3A_406 : vector<16xf32>
          %mul3A_458 = arith.mulf %sub3A_457, %mul3A_442 : vector<16xf32>
          %mul3A_459 = arith.mulf %mul3A_458, %get3A_7 : vector<16xf32>
          %add3A_460 = arith.addf %mul3A_459, %get3A_23 : vector<16xf32>
          %swap3A_461 = arith.index_cast %scan3A_326 : i32 to index
          %swap3A_462 = arith.constant 32 : index
          %swap3A_463 = tpu.vector_load %arg10[%swap3A_461, %swap3A_462] {strides = array<i32>} : memref<128x128xf32, #tpu.memory_space<vmem>>, vector<16xf32>,
          tpu.vector_store %arg10[%swap3A_461, %swap3A_462], %add3A_460 {strides = array<i32>} : memref<128x128xf32, #tpu.memory_space<vmem>>, vector<16xf32>,
          %sub3A_464 = arith.subf %get3A_338, %mul3A_406 : vector<16xf32>
          %mul3A_465 = arith.mulf %sub3A_464, %mul3A_442 : vector<16xf32>
          %mul3A_466 = arith.mulf %mul3A_465, %get3A_9 : vector<16xf32>
          %add3A_467 = arith.addf %mul3A_466, %get3A_25 : vector<16xf32>
          %swap3A_468 = arith.index_cast %scan3A_326 : i32 to index
          %swap3A_469 = arith.constant 48 : index
          %swap3A_470 = tpu.vector_load %arg10[%swap3A_468, %swap3A_469] {strides = array<i32>} : memref<128x128xf32, #tpu.memory_space<vmem>>, vector<16xf32>,
          tpu.vector_store %arg10[%swap3A_468, %swap3A_469], %add3A_467 {strides = array<i32>} : memref<128x128xf32, #tpu.memory_space<vmem>>, vector<16xf32>,
          %sub3A_471 = arith.subf %get3A_341, %mul3A_406 : vector<16xf32>
          %mul3A_472 = arith.mulf %sub3A_471, %mul3A_442 : vector<16xf32>
          %mul3A_473 = arith.mulf %mul3A_472, %get3A_11 : vector<16xf32>
          %add3A_474 = arith.addf %mul3A_473, %get3A_27 : vector<16xf32>
          %swap3A_475 = arith.index_cast %scan3A_326 : i32 to index
          %swap3A_476 = arith.constant 64 : index
          %swap3A_477 = tpu.vector_load %arg10[%swap3A_475, %swap3A_476] {strides = array<i32>} : memref<128x128xf32, #tpu.memory_space<vmem>>, vector<16xf32>,
          tpu.vector_store %arg10[%swap3A_475, %swap3A_476], %add3A_474 {strides = array<i32>} : memref<128x128xf32, #tpu.memory_space<vmem>>, vector<16xf32>,
          %sub3A_478 = arith.subf %get3A_344, %mul3A_406 : vector<16xf32>
          %mul3A_479 = arith.mulf %sub3A_478, %mul3A_442 : vector<16xf32>
          %mul3A_480 = arith.mulf %mul3A_479, %get3A_13 : vector<16xf32>
          %add3A_481 = arith.addf %mul3A_480, %get3A_29 : vector<16xf32>
          %swap3A_482 = arith.index_cast %scan3A_326 : i32 to index
          %swap3A_483 = arith.constant 80 : index
          %swap3A_484 = tpu.vector_load %arg10[%swap3A_482, %swap3A_483] {strides = array<i32>} : memref<128x128xf32, #tpu.memory_space<vmem>>, vector<16xf32>,
          tpu.vector_store %arg10[%swap3A_482, %swap3A_483], %add3A_481 {strides = array<i32>} : memref<128x128xf32, #tpu.memory_space<vmem>>, vector<16xf32>,
          %sub3A_485 = arith.subf %get3A_347, %mul3A_406 : vector<16xf32>
          %mul3A_486 = arith.mulf %sub3A_485, %mul3A_442 : vector<16xf32>
          %mul3A_487 = arith.mulf %mul3A_486, %get3A_15 : vector<16xf32>
          %add3A_488 = arith.addf %mul3A_487, %get3A_31 : vector<16xf32>
          %swap3A_489 = arith.index_cast %scan3A_326 : i32 to index
          %swap3A_490 = arith.constant 96 : index
          %swap3A_491 = tpu.vector_load %arg10[%swap3A_489, %swap3A_490] {strides = array<i32>} : memref<128x128xf32, #tpu.memory_space<vmem>>, vector<16xf32>,
          tpu.vector_store %arg10[%swap3A_489, %swap3A_490], %add3A_488 {strides = array<i32>} : memref<128x128xf32, #tpu.memory_space<vmem>>, vector<16xf32>,
          %sub3A_492 = arith.subf %get3A_350, %mul3A_406 : vector<16xf32>
          %mul3A_493 = arith.mulf %sub3A_492, %mul3A_442 : vector<16xf32>
          %mul3A_494 = arith.mulf %mul3A_493, %get3A_17 : vector<16xf32>
          %add3A_495 = arith.addf %mul3A_494, %get3A_33 : vector<16xf32>
          %swap3A_496 = arith.index_cast %scan3A_326 : i32 to index
          %swap3A_497 = arith.constant 112 : index
          %swap3A_498 = tpu.vector_load %arg10[%swap3A_496, %swap3A_497] {strides = array<i32>} : memref<128x128xf32, #tpu.memory_space<vmem>>, vector<16xf32>,
          tpu.vector_store %arg10[%swap3A_496, %swap3A_497], %add3A_495 {strides = array<i32>} : memref<128x128xf32, #tpu.memory_space<vmem>>, vector<16xf32>,
        }
        %scan3A_150 = arith.constant 128 : i32
        %mul3A_151 = arith.constant 128 : i32
        %mul3A_152 = arith.muli %scan3A_77, %mul3A_151 : i32
        %add3A_153 = arith.addi %mul3A_2, %mul3A_152 : i32
        %dma_start3A_154 = arith.constant 0 : i32
        %dma_start3A_155 = tpu.memref_slice %arg6[%add3A_153, %dma_start3A_154] : memref<204800x128xf32, #tpu.memory_space<hbm>> -> memref<128x128xf32, #tpu.memory_space<hbm>>
        %dma_start3A_156 = arith.constant 0 : i32
        %dma_start3A_157 = tpu.memref_slice %arg6[%add3A_153, %dma_start3A_156] : memref<204800x128xf32, #tpu.memory_space<hbm>> -> memref<128x128xf32, #tpu.memory_space<hbm>>
        tpu.enqueue_dma source(%arg10 : memref<128x128xf32, #tpu.memory_space<vmem>>) target(%dma_start3A_157 : memref<128x128xf32, #tpu.memory_space<hbm>>) target_semaphore(%arg18 : memref<!tpu.dma_semaphore, #tpu.memory_space<semaphore_mem>>)
      } else {
      }
    }
    %scan3A_59 = arith.constant 50 : i32
    %dma_wait3A = arith.constant 0 : i32
    %dma_wait3A_60 = arith.constant 0 : i32
    %dma_wait3A_61 = tpu.memref_slice %arg6[%dma_wait3A, %dma_wait3A_60] : memref<204800x128xf32, #tpu.memory_space<hbm>> -> memref<128x128xf32, #tpu.memory_space<hbm>>
    %dma_wait3A_62 = arith.constant 0 : i32
    %dma_wait3A_63 = arith.constant 0 : i32
    %dma_wait3A_64 = tpu.memref_slice %arg6[%dma_wait3A_62, %dma_wait3A_63] : memref<204800x128xf32, #tpu.memory_space<hbm>> -> memref<128x128xf32, #tpu.memory_space<hbm>>
    tpu.wait_dma2 semaphore(%arg17 : memref<!tpu.dma_semaphore, #tpu.memory_space<semaphore_mem>>) src(%arg9 : memref<128x128xf32, #tpu.memory_space<vmem>>) dst(%dma_wait3A_64 : memref<128x128xf32, #tpu.memory_space<hbm>>)
    %dma_wait3A_65 = arith.constant 0 : i32
    %dma_wait3A_66 = arith.constant 0 : i32
    %dma_wait3A_67 = tpu.memref_slice %arg6[%dma_wait3A_65, %dma_wait3A_66] : memref<204800x128xf32, #tpu.memory_space<hbm>> -> memref<128x128xf32, #tpu.memory_space<hbm>>
    %dma_wait3A_68 = arith.constant 0 : i32
    %dma_wait3A_69 = arith.constant 0 : i32
    %dma_wait3A_70 = tpu.memref_slice %arg6[%dma_wait3A_68, %dma_wait3A_69] : memref<204800x128xf32, #tpu.memory_space<hbm>> -> memref<128x128xf32, #tpu.memory_space<hbm>>
    tpu.wait_dma2 semaphore(%arg16 : memref<!tpu.dma_semaphore, #tpu.memory_space<semaphore_mem>>) src(%arg8 : memref<128x128xf32, #tpu.memory_space<vmem>>) dst(%dma_wait3A_70 : memref<128x128xf32, #tpu.memory_space<hbm>>)
    %dma_wait3A_71 = arith.constant 0 : i32
    %dma_wait3A_72 = arith.constant 0 : i32
    %dma_wait3A_73 = tpu.memref_slice %arg6[%dma_wait3A_71, %dma_wait3A_72] : memref<204800x128xf32, #tpu.memory_space<hbm>> -> memref<128x128xf32, #tpu.memory_space<hbm>>
    %dma_wait3A_74 = arith.constant 0 : i32
    %dma_wait3A_75 = arith.constant 0 : i32
    %dma_wait3A_76 = tpu.memref_slice %arg6[%dma_wait3A_74, %dma_wait3A_75] : memref<204800x128xf32, #tpu.memory_space<hbm>> -> memref<128x128xf32, #tpu.memory_space<hbm>>
    tpu.wait_dma2 semaphore(%arg18 : memref<!tpu.dma_semaphore, #tpu.memory_space<semaphore_mem>>) src(%arg10 : memref<128x128xf32, #tpu.memory_space<vmem>>) dst(%dma_wait3A_76 : memref<128x128xf32, #tpu.memory_space<hbm>>)
    return
  }
}

</mosaic_0001>

<sc_bundles>
// kernel: _run.3.cloned.1.call-start
scs
__scs_entry_jumppad:
0x0: {  	(pc) =	sbr.rel $0x88, $3  }
0x1: {  	(tag) =	ssettag $0x0;
	lr =	simm.s32 $0x1  }
0x2: {  	[smem:$0x3F9D] =	sst lr;
	_ =	strace $0xD0000000  }
0x3: {  	_ = 	snop  }
0x4: {  	_ = 	snop  }
0x5: {  	_ = 	snop  }
0x6: {  	_ = 	snop  }
0x7: {  	_ = 	snop  }
__scs_overlays_trampoline_lowered:
0x8: {  	[smem:$0x3FAC] =	sst s0  }
0x9: {  	[smem:$0x3FAD] =	sst s1  }
0xa: {  	[smem:$0x3FAE] =	sst s2  }
0xb: {  	[smem:$0x3FAF] =	sst s3  }
0xc: {  	[smem:$0x3FB0] =	sst s4  }
0xd: {  	[smem:$0x3FB1] =	sst s5  }
0xe: {  	[smem:$0x3FB2] =	sst s6  }
0xf: {  	[smem:$0x3FB3] =	sst s7  }
0x10: {  	[smem:$0x3FB4] =	sst s8  }
0x11: {  	[smem:$0x3FB5] =	sst s9;
	s0 =	simm.s32 @!p0 $0x0  }
0x12: {  	s1 =	sld [smem:$0x3F9B];
	s0 =	simm.s32 @p0 $0x1  }
0x13: {  	[smem:$0x3FB6] =	sst s0;
	s0 =	simm.s32 @!p1 $0x0  }
0x14: {  	s2 =	sld [smem:$0x3F9A];
	s0 =	simm.s32 @p1 $0x1  }
0x15: {  	[smem:$0x3FB7] =	sst s0;
	s0 =	simm.s32 @!p2 $0x0  }
0x16: {  	s3 =	sld [smem:$0x3FDB];
	s0 =	simm.s32 @p2 $0x1  }
0x17: {  	s4 =	simm.s32 $0x1BF5;
	[smem:$0x3FB9] =	sst s0  }
0x18: {  	s0 =	sld [smem:$0x3F9C];
	_ =	swait.ge [sflag:s4], $0x0  }
0x19: {  	s7 =	sld [smem:$0x3F9D]  }
0x1a: {  	s8 =	sadd.s32 $0xFFFFE003, lr  }
0x1b: {  	s9 =	sadd.s32 $0xFFFFFEF7, lr;
	s5 =	simm.s32 $0xFFFFFFFF;
	p2 =	slt.u32 s8, $0xFFFFF086  }
0x1c: {  	p1 =	slt.u32 s9, $0xF7A;
	s5 =	simm.s32 @!p2 $0x0  }
0x1d: {  	s5 =	simm.s32 @p1 $0x1;
	p0 =	seq.s32 s7, s2  }
0x1e: {  	s7 =	smul.u32 @!p0 $0xF7A, s2;
	p2 =	seq.s32 @!p0 s5, $0x0  }
0x1f: {  	s9 =	smul.u32 $0xF7A, s1;
	s8 =	simm.s32 @!p0 $0x1BF5;
	p2 =	por !p2, p0  }
0x20: {  	[sflag:s8] =	ssyncset.s32 @!p0 $0xFFFFF086;
	s6 =	sadd.s32 @!p0 s3, s7;
	s7 =	simm.s32 @!p0 $0x108  }
0x21: {  	s3 =	sadd.s32 s3, s9;
	s6 =	sadd.s32 @!p0 $0x88, s6;
	s7 =	simm.s32 @p2 $0x1082  }
0x22: {  	[simem:s7], [sflag:s8] =	dma.local @!p0 [hbm:s6], $0xF7A  }
0x23: {  	s9 =	sor.u32 $0xD0000000, s2;
	s6 =	simm.s32 $0x108;
	_ =	swait.ge @!p0 [sflag:s8], $0x0  }
0x24: {  	s3 =	sadd.s32 $0x88, s3;
	s6 =	simm.s32 @!p1 $0x1082;
	[sflag:s4] =	ssyncset.s32 $0xFFFFF086  }
0x25: {  	[simem:s6], [sflag:s4] =	dma.local [hbm:s3], $0xF7A  }
0x26: {  	[smem:$0x3F9D] =	sst s1;
	(tag) =	ssettag s2;
	_ =	strace s9  }
0x27: {  	s1 =	sld [smem:$0x3FAD]  }
0x28: {  	s2 =	sld [smem:$0x3FAE]  }
0x29: {  	s4 =	sld [smem:$0x3FB0]  }
0x2a: {  	p0 =	seq.s32 s5, $0x0;
	s5 =	sld [smem:$0x3FB1]  }
0x2b: {  	s6 =	sld [smem:$0x3FB2]  }
0x2c: {  	s7 =	sld [smem:$0x3FB3]  }
0x2d: {  	s3 =	simm.s32 $0x108;
	s8 =	sld [smem:$0x3FB4]  }
0x2e: {  	s3 =	simm.s32 @!p0 $0x1082;
	s9 =	sld [smem:$0x3FB5]  }
0x2f: {  	lr =	sadd.s32 s0, s3;
	s0 =	sld [smem:$0x3FAC]  }
0x30: {  	s3 =	sld [smem:$0x3FAF]  }
0x31: {  	[smem:$0x3FB8] =	sst s10  }
0x32: {  	s10 =	sld [smem:$0x3FB6];
	_ =	sdelay $0x3  }
0x33: {  	p0 =	seq.s32 s10, $0x1;
	s10 =	sld [smem:$0x3FB8];
	_ =	sdelay $0x3  }
0x34: {  	[smem:$0x3FB8] =	sst s10  }
0x35: {  	s10 =	sld [smem:$0x3FB7];
	_ =	sdelay $0x3  }
0x36: {  	p1 =	seq.s32 s10, $0x1;
	s10 =	sld [smem:$0x3FB8];
	_ =	sdelay $0x3  }
0x37: {  	[smem:$0x3FB8] =	sst s10  }
0x38: {  	s10 =	sld [smem:$0x3FB9]  }
0x39: {  	_ = 	snop;
	(pc) =	sbr.ind lr, $3  }
0x3a: {  	_ = 	snop  }
0x3b: {  	_ = 	snop  }
0x3c: {  	p2 =	seq.s32 s10, $0x1;
	s10 =	sld [smem:$0x3FB8]  }
0x3d: {  	_ =	shalt  }
0x3e: {  	_ =	shalt  }
0x3f: {  	_ =	shalt  }
0x40: {  	_ =	shalt  }
0x41: {  	_ =	shalt  }
0x42: {  	_ =	shalt  }
0x43: {  	_ =	shalt  }
0x44: {  	_ =	shalt  }
0x45: {  	_ =	shalt  }
0x46: {  	_ =	shalt  }
0x47: {  	_ =	shalt  }
0x48: {  	_ =	shalt  }
0x49: {  	_ =	shalt  }
0x4a: {  	_ =	shalt  }
0x4b: {  	_ =	shalt  }
0x4c: {  	_ =	shalt  }
0x4d: {  	_ =	shalt  }
0x4e: {  	_ =	shalt  }
0x4f: {  	_ =	shalt  }
0x50: {  	_ =	shalt  }
0x51: {  	_ =	shalt  }
0x52: {  	_ =	shalt  }
0x53: {  	_ =	shalt  }
0x54: {  	_ =	shalt  }
0x55: {  	_ =	shalt  }
0x56: {  	_ =	shalt  }
0x57: {  	_ =	shalt  }
0x58: {  	_ =	shalt  }
0x59: {  	_ =	shalt  }
0x5a: {  	_ =	shalt  }
0x5b: {  	_ =	shalt  }
0x5c: {  	_ =	shalt  }
0x5d: {  	_ =	shalt  }
0x5e: {  	_ =	shalt  }
0x5f: {  	_ =	shalt  }
0x60: {  	_ =	shalt  }
0x61: {  	_ =	shalt  }
0x62: {  	_ =	shalt  }
0x63: {  	_ =	shalt  }
0x64: {  	_ =	shalt  }
0x65: {  	_ =	shalt  }
0x66: {  	_ =	shalt  }
0x67: {  	_ =	shalt  }
0x68: {  	_ =	shalt  }
0x69: {  	_ =	shalt  }
0x6a: {  	_ =	shalt  }
0x6b: {  	_ =	shalt  }
0x6c: {  	_ =	shalt  }
0x6d: {  	_ =	shalt  }
0x6e: {  	_ =	shalt  }
0x6f: {  	_ =	shalt  }
0x70: {  	_ =	shalt  }
0x71: {  	_ =	shalt  }
0x72: {  	_ =	shalt  }
0x73: {  	_ =	shalt  }
0x74: {  	_ =	shalt  }
0x75: {  	_ =	shalt  }
0x76: {  	_ =	shalt  }
0x77: {  	_ =	shalt  }
0x78: {  	_ =	shalt  }
0x79: {  	_ =	shalt  }
0x7a: {  	_ =	shalt  }
0x7b: {  	_ =	shalt  }
0x7c: {  	_ =	shalt  }
0x7d: {  	_ =	shalt  }
0x7e: {  	_ =	shalt  }
0x7f: {  	_ =	shalt  }
0x80: {  	_ =	shalt  }
0x81: {  	_ =	shalt  }
0x82: {  	_ =	shalt  }
0x83: {  	_ =	shalt  }
0x84: {  	_ =	shalt  }
0x85: {  	_ =	shalt  }
0x86: {  	_ =	shalt  }
0x87: {  	_ =	shalt  }
.Lfunc_end0:
.L_simem_size_0:
called_computation_lowered:
.L_overlay_start_0:
0x88: {  	s2 =	sld [smem:$0x3FD9]  }
0x89: {  	s3 =	sld [smem:$0x3FFE];
	_ =	sdelay $0x1  }
0x8a: {  	s1 =	srdreg.scid  }
0x8b: {  	s0 =	sand.u32 $0x1, s1  }
0x8c: {  	s18 =	sshll.u32 s0, $0xA;
	s2 =	sadd.s32 s3, s2  }
0x8d: {  	s2 =	sadd.s32 s2, s18  }
0x8e: {  	[smem:$0x3FC4] =	sst s2  }
0x8f: {  	_ = 	snop  }
0x90: {  	s2 =	sld [smem:$0x3FC9]  }
0x91: {  	s19 =	sld [smem:$0x3FC8]  }
0x92: {  	s4 =	sld [smem:$0x3FC7]  }
0x93: {  	s5 =	sld [smem:$0x3FC6]  }
0x94: {  	s6 =	sld [smem:$0x3FD0];
	(tm) =	ssettm $0x1  }
0x95: {  	s7 =	sld [smem:$0x3FFB];
	_ =	sdelay $0x3  }
0x96: {  	_ =	strace s7  }
0x97: {  	s7 =	sld [smem:$0x3FFC];
	_ =	sdelay $0x3  }
0x98: {  	_ =	strace s7  }
0x99: {  	s7 =	sld [smem:$0x3FFD];
	_ =	sdelay $0x3  }
0x9a: {  	_ =	strace s7  }
0x9b: {  	_ =	strace $0x8FFFFFFF  }
0x9c: {  	s20 =	sld [smem:$0x3FDB];
	_ =	sdelay $0x1  }
0x9d: {  	s8 =	simm.s32 $_scs_section_size  }
0x9e: {  	s9 =	simm.s32 $_size__tile_overlayer_lowered;
	s10 =	simm.s32 $_tile_overlayer_lowered  }
0x9f: {  	s23 =	simm.s32 $0x1BFF;
	s22 =	sshll.u32 s10, $0x1;
	s7 =	sadd.s32 s8, s20  }
0xa0: {  	s11 =	simm.s32 $0x0;
	s21 =	sshll.u32 s9, $0x1;
	s9 =	sadd.s32 s22, s7  }
0xa1: {  	[timem:s11], [sflag:s23] =	dma.local [hbm:s9], s21  }
0xa2: {  	_ =	swait.ge [sflag:s23], s21  }
0xa3: {  	s8 =	ssub.s32 $0x0, s21;
	[sflag:s23] =	ssyncset.done $0x0  }
0xa4: {  	[sflag:s23] =	ssyncadd.s32 s8;
	_ =	sdelay $0x1  }
0xa5: {  	s24 =	simm.s32 $0x1B8B  }
0xa6: {  	_ =	swait.ge [sflag:s24], $0x1  }
0xa7: {  	[sflag:s24] =	ssyncset.done $0x0  }
0xa8: {  	s25 =	simm.s32 $0x1B8E;
	[sflag:s24] =	ssyncadd.s32 $0xFFFFFFFF  }
0xa9: {  	s26 =	simm.s32 $execute0_lowered;
	[smem:$0x3FD2] =	sst s25  }
0xaa: {  	s8 =	sshll.u32 s26, $0x1;
	_ =	strace $0x80000046;
	[dreg:$0x1] =	wrdreg $0xFFFFFFFF  }
0xab: {  	s28 =	simm.s32 $_size_execute0_lowered;
	s7 =	sadd.s32 s7, s8;
	[dreg:$0x0] =	wrdreg $0x0  }
0xac: {  	s8 =	sshll.u32 s28, $0x1;
	[dreg:$0x2] =	wrdreg s7  }
0xad: {  	[dreg:$0x3] =	wrdreg s8  }
0xae: {  	[dreg:$0x4] =	wrdreg $0xC0  }
0xaf: {  	_ =	task [dreg:s11], $0x5FFFF  }
0xb0: {  	[dreg:$0x1] =	wrdreg $0xFFFFFFFF  }
0xb1: {  	[dreg:$0x0] =	wrdreg $0x60  }
0xb2: {  	[dreg:$0x2] =	wrdreg s2  }
0xb3: {  	[dreg:$0x3] =	wrdreg s19  }
0xb4: {  	[dreg:$0x4] =	wrdreg s4  }
0xb5: {  	[dreg:$0x5] =	wrdreg s5  }
0xb6: {  	[dreg:$0x6] =	wrdreg s6  }
0xb7: {  	[dreg:$0x7] =	wrdreg $0x9  }
0xb8: {  	_ =	task.clear_ibuf [dreg:s11], $0x8FFFF;
	_ =	strace $0x90000046  }
0xb9: {  	s29 =	simm.s32 $0x9;
	_ =	strace $0x80000048  }
0xba: {  	_ =	swait.ge [sflag:s29], $0x1  }
0xbb: {  	[sflag:s29] =	ssyncadd.s32 $0xFFFFFFFF  }
0xbc: {  	_ =	strace $0x90000048  }
0xbd: {  	_ =	sfence  }
0xbe: {  	s30 =	sld [smem:$0x0];
	_ =	sdelay $0x2  }
0xbf: {  	s31 =	sshll.u32 s1, $0xD;
	s1 =	sshrl.u32 s1, $0x2  }
0xc0: {  	s3 =	sand.u32 $0x4000, s31;
	s1 =	sadd.s32 s1, s30  }
0xc1: {  	s0 =	sor.u32 s3, s0;
	s1 =	sshll.u32 s1, $0x11  }
0xc2: {  	s0 =	sor.u32 s1, s0  }
0xc3: {  	s0 =	sadd.s32 $0x8F2B, s0  }
0xc4: {  	[sflag:s0] =	ssyncadd.remote.s32 $0x1  }
0xc5: {  	_ =	sfence.sel $0xFFFF  }
0xc6: {  	[dreg:$0x0] =	wrdreg $0xFFFFFFFF;
	(pc) =	sbr.abs _section_cstart, $3  }
0xc7: {  	[dreg:$0x1] =	wrdreg $0xFFFFFFFF  }
0xc8: {  	_ =	task.clear_ibuf [dreg:s11], $0x2FFFF;
	_ =	strace $0x9FFFFFFF  }
0xc9: {  	(tm) =	ssettm $0x7FFFFFFF  }
tec
execute0_lowered:
.L_overlay_start_1:
0x0: {  	(tag) =	ssettag $0x1  }
0x1: {  	s7 =	rddreg [dreg:$0x0]  }
0x2: {  	s0 =	rddreg [dreg:$0x1]  }
0x3: {  	s1 =	rddreg [dreg:$0x2]  }
0x4: {  	v0 =	vimm.s32 $0xEFCDAB89;
	s2 =	rddreg [dreg:$0x3];
	v1 =	vimm.s32 $0x67452301  }
0x5: {  	v2 =	vimm.s32 $0xDCFE98BA;
	s4 =	srdreg.scid;
	s3 =	stileid.u32;
	v3 =	vimm.s32 $0x54761032;
	v4 =	vimm.s32 $0xBA98FEDC  }
0x6: {  	s5 =	rddreg [dreg:$0x4];
	s6 =	simm.s32 $0x0;
	v5 =	vimm.s32 $0x32107654;
	v6 =	vimm.s32 $0xFEDCBA98;
	s12 =	simm.s32 $0xD980  }
0x7: {  	v7 =	vimm.s32 $0x76543210;
	s13 =	simm.s32 $0x80;
	s14 =	simm.s32 $0x1900;
	s15 =	simm.s32 $0x5900;
	v0 =	vunpack.c.l.s4.s8 v0;
	v1 =	vunpack.c.l.s4.s8 v1  }
0x8: {  	s16 =	simm.s32 $0x3;
	s17 =	simm.s32 $0x9900;
	s18 =	simm.s32 $0x5;
	v2 =	vunpack.c.l.s4.s8 v2;
	v3 =	vunpack.c.l.s4.s8 v3;
	v4 =	vunpack.c.l.s4.s8 v4  }
0x9: {  	s19 =	simm.s32 $0x4;
	s20 =	simm.s32 $0x6;
	s21 =	simm.s32 $0x2;
	v5 =	vunpack.c.l.s4.s8 v5;
	v6 =	vunpack.c.l.s4.s8 v6;
	v7 =	vunpack.c.l.s4.s8 v7  }
0xa: {  	s22 =	simm.s32 $0x1;
	s8 =	sand.u32 $0x1, s4;
	s9 =	sshll.u32 s3, $0x1;
	v0 =	vunpack.c.0.s8.s32 v0;
	v1 =	vunpack.c.0.s8.s32 v1;
	v2 =	vunpack.c.0.s8.s32 v2  }
.Ltmp0:
0xb: {  	s23 =	simm.s32 $0x0;
	s9 =	sor.u32 s8, s9;
	v3 =	vunpack.c.0.s8.s32 v3;
	v4 =	vunpack.c.0.s8.s32 v4;
	v5 =	vunpack.c.0.s8.s32 v5;
	(pc) =	sbr.rel .LBB2_1-.Ltmp0, $4  }
0xc: {  	[smem:$0x7FF] =	sst s6;
	s8 =	ssub.s32 $0x2, s8;
	s10 =	smul.u32 $0x320, s9;
	v0 =	vcombine.low v1, v0;
	v1 =	vunpack.c.0.s8.s32 v6  }
0xd: {  	s4 =	rddreg [dreg:$0x5];
	_ =	strace $0x80000047;
	s11 =	sshrl.u32 s8, $0x1;
	v2 =	vcombine.low v3, v2;
	v3 =	vcombine.low v5, v4;
	v4 =	vunpack.c.0.s8.s32 v7  }
0xe: {  	s11 =	ssub.s32 s8, s11;
	s8 =	smul.u32 $0xC8000, s9;
	s7 =	sadd.s32 s7, s10;
	v0 =	vand.u32 $0xF, v0;
	v5 =	vand.u32 $0xF, v1  }
0xf: {  	s9 =	smax.u32 s11, $0x1;
	s10 =	simm.s32 $0x7;
	s11 =	simm.s32 $0xD900;
	v1 =	vand.u32 $0xF, v2;
	v2 =	vand.u32 $0xF, v3;
	v3 =	vcombine.low v5, v4  }
.LBB2_14:
0x10: {  	_ =	swait.ge [sflag:s18], $0x4000  }
0x11: {  	[sflag:s18] =	ssyncset.done $0x0  }
0x12: {  	s23 =	sadd.s32 $0x1, s23;
	[sflag:s18] =	ssyncadd.s32 $0xFFFFC000  }
0x13: {  	p0 =	sne.s32 s23, s9;
	_ =	swait.ge [sflag:s19], $0x4000  }
.Ltmp1:
0x14: {  	[sflag:s19] =	ssyncset.done $0x0;
	(pc) =	sbr.rel @!p0 .LBB2_15-.Ltmp1, $4  }
0x15: {  	[sflag:s19] =	ssyncadd.s32 $0xFFFFC000  }
0x16: {  	_ =	swait.ge [sflag:s20], $0x4000  }
0x17: {  	[sflag:s20] =	ssyncset.done $0x0  }
0x18: {  	[sflag:s20] =	ssyncadd.s32 $0xFFFFC000  }
.LBB2_1:
0x19: {  	[tilespmem:s6], [sflag:$0x7] =	stream.linear.gather [hbm4b:s7+s6], $0x1900, $0x38;
	[tilespmem:$0xDA00] =	vst v63  }
0x1a: {  	_ =	swait.ge [sflag:s10], $0x1900  }
0x1b: {  	[sflag:s10] =	ssyncset.done $0x0  }
0x1c: {  	[sflag:s10] =	ssyncadd.s32 $0xFFFFE700  }
0x1d: {  	[tilespmem:s11], [sflag:$0x7] =	stream.linear.gather [hbm4b:s1+s6], $0x80, $0x38;
	[tilespmem:$0xDA00] =	vst v63  }
0x1e: {  	_ =	swait.ge [sflag:s10], $0x80  }
0x1f: {  	[sflag:s10] =	ssyncset.done $0x0  }
0x20: {  	[sflag:s10] =	ssyncadd.s32 $0xFFFFFF80  }
0x21: {  	[tilespmem:s12], [sflag:$0x7] =	stream.linear.gather [hbm4b:s2+s6], $0x80, $0x38;
	[tilespmem:$0xDA00] =	vst v63  }
0x22: {  	_ =	swait.ge [sflag:s10], $0x80  }
0x23: {  	[sflag:s10] =	ssyncset.done $0x0  }
0x24: {  	[sflag:s10] =	ssyncadd.s32 $0xFFFFFF80  }
0x25: {  	v4 =	vld [tilespmem:$0xD900]  }
0x26: {  	v5 =	vld [tilespmem:$0xD910]  }
0x27: {  	v6 =	vld [tilespmem:$0xD920]  }
0x28: {  	v7 =	vld [tilespmem:$0xD930]  }
0x29: {  	v8 =	vld [tilespmem:$0xD940]  }
0x2a: {  	v9 =	vld [tilespmem:$0xD950]  }
0x2b: {  	v10 =	vld [tilespmem:$0xD960]  }
0x2c: {  	v11 =	vld [tilespmem:$0xD970]  }
0x2d: {  	v12 =	vld [tilespmem:$0xD980]  }
0x2e: {  	v13 =	vld [tilespmem:$0xD990]  }
0x2f: {  	v14 =	vld [tilespmem:$0xD9A0]  }
0x30: {  	v15 =	vld [tilespmem:$0xD9B0]  }
0x31: {  	v16 =	vld [tilespmem:$0xD9C0]  }
.Ltmp2:
0x32: {  	v17 =	vld [tilespmem:$0xD9D0];
	(pc) =	sbr.rel .LBB2_2-.Ltmp2, $4  }
0x33: {  	v18 =	vld [tilespmem:$0xD9E0]  }
0x34: {  	v19 =	vld [tilespmem:$0xD9F0];
	[tilespmem:s14], [sflag:$0x1] =	stream.indirect.gather [hbm4b:s0+s13], $0x80, s6, s13, $0xb8  }
0x35: {  	s24 =	simm.s32 $0x0  }
0x36: {  	[tilespmem:s15], [sflag:$0x2] =	stream.indirect.gather [hbm4b:s0+s13], $0x80, s13, s13, $0xb8;
	[tilespmem:$0xDA00] =	vst v63  }
.LBB2_13:
0x37: {  	s24 =	sadd.s32 $0x1, s24  }
0x38: {  	p0 =	sne.s32 s24, $0x32  }
.Ltmp3:
0x39: {  	_ = 	snop;
	(pc) =	sbr.rel @!p0 .LBB2_14-.Ltmp3, $1  }
0x3a: {  	_ =	sdelay $0x3  }
.LBB2_2:
0x3b: {  	s25 =	smul.u32 $0xAB, s24;
	_ =	sdelay $0x1  }
0x3c: {  	s25 =	sshrl.u32 s25, $0x9  }
0x3d: {  	s25 =	sand.u32 $0x7F, s25  }
0x3e: {  	s25 =	smul.u32 $0x3, s25;
	_ =	sdelay $0x1  }
0x3f: {  	s25 =	ssub.s32 s24, s25  }
0x40: {  	s25 =	sand.u32 $0xFF, s25  }
0x41: {  	p1 =	seq.s32 s25, $0x2  }
.Ltmp4:
0x42: {  	_ = 	snop;
	(pc) =	sbr.rel @p1 .LBB2_10-.Ltmp4, $2  }
0x43: {  	_ =	sdelay $0x2  }
0x44: {  	p0 =	sgt.u32 s24, $0x2F  }
0x45: {  	p1 =	seq.s32 s25, $0x1  }
.Ltmp5:
0x46: {  	_ = 	snop;
	(pc) =	sbr.rel @!p1 .LBB2_4-.Ltmp5, $2  }
0x47: {  	_ =	sdelay $0x2  }
0x48: {  	s25 =	sshll.u32 @!p0 s24, $0x7  }
0x49: {  	s26 =	simm.s32 @!p0 $0x4  }
0x4a: {  	_ =	swait.ge @!p0 [sflag:s26], $0x4000  }
0x4b: {  	s25 =	sand.u32 @!p0 $0x3FFFFF80, s25;
	s28 =	simm.s32 @!p0 $0x1900;
	[sflag:s26] =	ssyncset.done @!p0 $0x0  }
0x4c: {  	s25 =	sadd.s32 @!p0 $0x100, s25;
	[sflag:s26] =	ssyncadd.s32 @!p0 $0xFFFFC000;
	s26 =	simm.s32 @!p0 $0x80  }
0x4d: {  	[tilespmem:s28], [sflag:$0x1] =	stream.indirect.gather @!p0 [hbm4b:s0+s26], $0x80, s25, s26, $0xb8;
	[tilespmem:$0xDA00] =	vst v63  }
0x4e: {  	_ =	swait.ge [sflag:s21], $0x4000  }
0x4f: {  	[sflag:s21] =	ssyncset.done $0x0  }
0x50: {  	s25 =	simm.s32 $0x5980;
	[sflag:s21] =	ssyncadd.s32 $0xFFFFC000  }
0x51: {  	v22 =	vld [tilespmem:s25+$0x60]  }
0x52: {  	v23 =	vld [tilespmem:s25+$0x50]  }
0x53: {  	v24 =	vld [tilespmem:s25+$0x70]  }
0x54: {  	v25 =	vld [tilespmem:s25+$0x40]  }
0x55: {  	v27 =	vld [tilespmem:s25+$0x30]  }
0x56: {  	v20 =	vld [tilespmem:s25+$0x10]  }
0x57: {  	v21 =	vld [tilespmem:s25+$0x0]  }
0x58: {  	v31 =	vld [tilespmem:s25+$0x20]  }
0x59: {  	v30 =	vld [tilespmem:s25+$0xFFFFFF80]  }
0x5a: {  	v26 =	vld [tilespmem:s25+$0xFFFFFFF0];
	v29 =	vmul.f32 v23, v23;
	v32 =	vmul.f32 v25, v25  }
0x5b: {  	v28 =	vld [tilespmem:s25+$0xFFFFFFC0];
	v33 =	vmul.f32 v24, v24;
	v34 =	vadd.f32 v23, v25;
	v37 =	vmul.f32 v22, v22  }
0x5c: {  	v35 =	vld [tilespmem:s25+$0xFFFFFFD0];
	v36 =	vadd.f32 v24, v22;
	v38 =	vmul.f32 v21, v21;
	v39 =	vmul.f32 v20, v20  }
0x5d: {  	v41 =	vld [tilespmem:s25+$0xFFFFFFB0];
	v40 =	vadd.f32 v20, v21;
	v58 =	vmul.f32 v27, v27;
	v42 =	vadd.f32 v27, v31  }
0x5e: {  	v43 =	vmul.f32 v31, v31;
	v32 =	vadd.f32 v29, v32;
	v29 =	vld [tilespmem:s25+$0xFFFFFFE0];
	v34 =	vadd.f32 v36, v34  }
0x5f: {  	v44 =	vmul.f32 v30, v30;
	v33 =	vadd.f32 v33, v37;
	v37 =	vld [tilespmem:s25+$0xFFFFFFA0];
	v40 =	vadd.f32 v42, v40  }
0x60: {  	v60 =	vmul.f32 v28, v28;
	v38 =	vadd.f32 v39, v38;
	v39 =	vld [tilespmem:s25+$0xFFFFFF90];
	v36 =	vadd.f32 v58, v43  }
0x61: {  	v46 =	vadd.f32 v35, v28;
	v50 =	vmul.f32 v35, v35;
	v34 =	vadd.f32 v34, v40  }
0x62: {  	v59 =	vmul.f32 v26, v26;
	v32 =	vadd.f32 v33, v32;
	v36 =	vadd.f32 v36, v38  }
0x63: {  	v47 =	vmul.f32 v41, v41;
	v42 =	vadd.f32 v50, v60;
	v48 =	vperm.xlane v34, v0  }
0x64: {  	v32 =	vadd.f32 v32, v36;
	v61 =	vadd.f32 v26, v29;
	v62 =	vmul.f32 v37, v37  }
0x65: {  	v45 =	vmul.f32 v29, v29;
	v63 =	vadd.f32 v39, v30;
	v49 =	vadd.f32 v41, v37  }
0x66: {  	v51 =	vmul.f32 v39, v39;
	v34 =	vadd.f32 v34, v48;
	v40 =	vadd.f32 v47, v62  }
0x67: {  	v52 =	vperm.xlane v32, v0;
	v33 =	vadd.f32 v59, v45;
	v38 =	vadd.f32 v49, v63  }
0x68: {  	v43 =	vadd.f32 v61, v46;
	v36 =	vadd.f32 v51, v44  }
0x69: {  	v53 =	vperm.xlane v34, v1;
	v32 =	vadd.f32 v32, v52;
	v33 =	vadd.f32 v33, v42  }
0x6a: {  	v38 =	vadd.f32 v43, v38;
	v36 =	vadd.f32 v40, v36  }
0x6b: {  	v34 =	vadd.f32 v34, v53;
	v54 =	vperm.xlane v32, v1  }
0x6c: {  	v55 =	vperm.xlane v38, v0;
	v33 =	vadd.f32 v33, v36  }
0x6d: {  	v56 =	vperm.xlane v34, v2;
	v32 =	vadd.f32 v32, v54  }
0x6e: {  	v38 =	vadd.f32 v38, v55;
	v57 =	vperm.xlane v33, v0  }
0x6f: {  	v34 =	vadd.f32 v56, v34;
	v58 =	vperm.xlane v32, v2  }
0x70: {  	v42 =	vperm.xlane v38, v1;
	v33 =	vadd.f32 v33, v57  }
0x71: {  	v59 =	vperm.xlane v34, v3;
	v32 =	vadd.f32 v58, v32  }
0x72: {  	v60 =	vadd.f32 v38, v42;
	v61 =	vperm.xlane v33, v1  }
0x73: {  	v34 =	vadd.f32 v59, v34;
	v62 =	vperm.xlane v32, v3  }
0x74: {  	v42 =	vperm.xlane v60, v2;
	v33 =	vadd.f32 v33, v61  }
0x75: {  	v34 =	vmul.f32 $7.812500000e-03, v34;
	v32 =	vadd.f32 v62, v32  }
0x76: {  	v36 =	vadd.f32 v42, v60;
	v38 =	vperm.xlane v33, v2  }
0x77: {  	v32 =	vmul.f32 $7.812500000e-03, v32;
	v63 =	vmul.f32 v34, v34  }
0x78: {  	v42 =	vperm.xlane v36, v3;
	v33 =	vadd.f32 v38, v33  }
0x79: {  	v32 =	vsub.f32 v32, v63  }
0x7a: {  	v36 =	vadd.f32 v42, v36;
	v38 =	vperm.xlane v33, v3  }
0x7b: {  	v32 =	vadd.f32 $9.999999740e-06, v32  }
0x7c: {  	v36 =	vmul.f32 $7.812500000e-03, v36;
	v33 =	vadd.f32 v38, v33  }
0x7d: {  	v44 =	vshra.s32 v32, $0x1;
	v32 =	vmul.f32 $5.000000000e-01, v32  }
0x7e: {  	v33 =	vmul.f32 $7.812500000e-03, v33;
	v45 =	vmul.f32 v36, v36;
	v38 =	vsub.s32 $0x5F3759DF, v44  }
0x7f: {  	v46 =	vmul.f32 v38, v32  }
0x80: {  	v33 =	vsub.f32 v33, v45  }
0x81: {  	v47 =	vmul.f32 v38, v46  }
0x82: {  	v33 =	vadd.f32 $9.999999740e-06, v33  }
0x83: {  	v40 =	vsub.f32 $1.500000000e+00, v47  }
0x84: {  	v48 =	vshra.s32 v33, $0x1;
	v33 =	vmul.f32 $5.000000000e-01, v33  }
0x85: {  	v42 =	vsub.s32 $0x5F3759DF, v48;
	v38 =	vmul.f32 v38, v40  }
0x86: {  	v49 =	vmul.f32 v42, v33  }
0x87: {  	v50 =	vmul.f32 v38, v32  }
0x88: {  	v40 =	vmul.f32 v42, v49  }
0x89: {  	v43 =	vmul.f32 v50, v38  }
0x8a: {  	v40 =	vsub.f32 $1.500000000e+00, v40  }
0x8b: {  	v43 =	vsub.f32 $1.500000000e+00, v43  }
0x8c: {  	v40 =	vmul.f32 v42, v40  }
0x8d: {  	v38 =	vmul.f32 v43, v38  }
0x8e: {  	v42 =	vmul.f32 v40, v33  }
0x8f: {  	v32 =	vmul.f32 v38, v32  }
0x90: {  	v51 =	vsub.f32 v23, v34;
	v23 =	vmul.f32 v42, v40  }
0x91: {  	v52 =	vsub.f32 v22, v34;
	v53 =	vsub.f32 v25, v34;
	v22 =	vmul.f32 v32, v38  }
0x92: {  	v54 =	vsub.f32 v24, v34;
	v23 =	vsub.f32 $1.500000000e+00, v23  }
0x93: {  	v31 =	vsub.f32 v31, v34;
	v55 =	vsub.f32 $1.500000000e+00, v22  }
0x94: {  	v56 =	vsub.f32 v27, v34;
	v60 =	vsub.f32 v21, v34;
	v57 =	vmul.f32 v23, v40  }
0x95: {  	v34 =	vsub.f32 v20, v34;
	v24 =	vsub.f32 v41, v36;
	v38 =	vmul.f32 v55, v38  }
0x96: {  	v25 =	vsub.f32 v30, v36;
	v27 =	vsub.f32 v26, v36;
	v33 =	vmul.f32 v57, v33  }
0x97: {  	v26 =	vsub.f32 v35, v36;
	v58 =	vmul.f32 v38, v51;
	v59 =	vmul.f32 v38, v52  }
0x98: {  	v21 =	vsub.f32 v28, v36;
	v61 =	vmul.f32 v38, v53;
	v32 =	vmul.f32 v38, v54  }
0x99: {  	v20 =	vsub.f32 v29, v36;
	v30 =	vmul.f32 v38, v31;
	v62 =	vmul.f32 v38, v56  }
0x9a: {  	v22 =	vsub.f32 v37, v36;
	v28 =	vmul.f32 v33, v57;
	v31 =	vmul.f32 v59, v10  }
0x9b: {  	v23 =	vsub.f32 v39, v36;
	v34 =	vmul.f32 v38, v34;
	v32 =	vmul.f32 v32, v11  }
0x9c: {  	v29 =	vmul.f32 v61, v8;
	v28 =	vsub.f32 $1.500000000e+00, v28;
	v31 =	vadd.f32 v31, v18  }
0x9d: {  	v40 =	vmul.f32 v38, v60;
	v35 =	vmul.f32 v58, v9;
	v63 =	vadd.f32 v32, v19  }
0x9e: {  	v34 =	vmul.f32 v34, v5;
	v33 =	vadd.f32 v29, v16;
	v28 =	vmul.f32 v28, v57;
	[tilespmem:s25+$0x60] =	vst v31  }
0x9f: {  	s26 =	simm.s32 $0x0;
	s28 =	simm.s32 $0x5980;
	v32 =	vadd.f32 v35, v17;
	v29 =	vmul.f32 v40, v4;
	v31 =	vmul.f32 v62, v7;
	[tilespmem:s25+$0x70] =	vst v63  }
.LBB2_8:
0xa0: {  	s26 =	sadd.s32 $0x2, s26;
	v35 =	vmul.f32 v28, v22;
	v36 =	vmul.f32 v28, v24;
	[tilespmem:s25+$0x40] =	vst v33;
	s28 =	sadd.s32 $0x100, s28  }
0xa1: {  	v24 =	vmul.f32 v28, v25;
	v33 =	vmul.f32 v28, v23;
	v22 =	vld [tilespmem:s28+$0x60];
	p0 =	slt.u32 s26, $0x7E;
	v34 =	vadd.f32 v34, v13;
	[tilespmem:s25+$0x50] =	vst v32  }
0xa2: {  	v30 =	vmul.f32 v30, v6;
	v31 =	vadd.f32 v31, v15;
	v32 =	vmul.f32 v28, v27;
	v25 =	vld [tilespmem:s28+$0x50]  }
0xa3: {  	v26 =	vmul.f32 v28, v26;
	v29 =	vadd.f32 v29, v12;
	v37 =	vmul.f32 v24, v4;
	v23 =	vld [tilespmem:s28+$0x70];
	[tilespmem:s25+$0x10] =	vst v34  }
0xa4: {  	v21 =	vmul.f32 v28, v21;
	v30 =	vadd.f32 v30, v14;
	v32 =	vmul.f32 v32, v11;
	v27 =	vld [tilespmem:s28+$0x40];
	[tilespmem:s25+$0x30] =	vst v31  }
0xa5: {  	v28 =	vmul.f32 v28, v20;
	v26 =	vmul.f32 v26, v9;
	v31 =	vadd.f32 v37, v12;
	v24 =	vld [tilespmem:s28+$0x30];
	[tilespmem:s25+$0x0] =	vst v29  }
0xa6: {  	v34 =	vmul.f32 v21, v8;
	v29 =	vmul.f32 v36, v7;
	v32 =	vadd.f32 v32, v19;
	v20 =	vld [tilespmem:s28+$0x10];
	[tilespmem:s25+$0x20] =	vst v30  }
0xa7: {  	v28 =	vmul.f32 v28, v10;
	v21 =	vld [tilespmem:s28+$0x0];
	v30 =	vmul.f32 v25, v25;
	[tilespmem:s25+$0xFFFFFF80] =	vst v31;
	v31 =	vadd.f32 v26, v17  }
0xa8: {  	v34 =	vadd.f32 v34, v16;
	v37 =	vadd.f32 v29, v15;
	v26 =	vld [tilespmem:s28+$0xFFFFFF80];
	v36 =	vmul.f32 v23, v23;
	[tilespmem:s25+$0xFFFFFFF0] =	vst v32  }
0xa9: {  	v35 =	vmul.f32 v35, v6;
	v32 =	vld [tilespmem:s28+$0x20];
	v38 =	vmul.f32 v27, v27;
	v39 =	vadd.f32 v25, v27;
	[tilespmem:s25+$0xFFFFFFD0] =	vst v31  }
0xaa: {  	v33 =	vmul.f32 v33, v5;
	v29 =	vld [tilespmem:s28+$0xFFFFFFF0];
	[tilespmem:s25+$0xFFFFFFC0] =	vst v34;
	v34 =	vadd.f32 v28, v18  }
0xab: {  	v35 =	vadd.f32 v35, v14;
	v28 =	vld [tilespmem:s28+$0xFFFFFFC0];
	v38 =	vadd.f32 v30, v38;
	[tilespmem:s25+$0xFFFFFFB0] =	vst v37  }
0xac: {  	v33 =	vadd.f32 v33, v13;
	v40 =	vadd.f32 v23, v22;
	v37 =	vmul.f32 v22, v22;
	v31 =	vld [tilespmem:s28+$0xFFFFFFD0];
	[tilespmem:s25+$0xFFFFFFE0] =	vst v34  }
0xad: {  	v41 =	vmul.f32 v20, v20;
	v34 =	vmul.f32 v21, v21;
	v42 =	vadd.f32 v20, v21;
	v30 =	vld [tilespmem:s28+$0xFFFFFFE0];
	[tilespmem:s25+$0xFFFFFFA0] =	vst v35  }
0xae: {  	v43 =	vmul.f32 v24, v24;
	v39 =	vadd.f32 v40, v39;
	v36 =	vadd.f32 v36, v37;
	v35 =	vld [tilespmem:s28+$0xFFFFFFB0];
	[tilespmem:s25+$0xFFFFFF90] =	vst v33;
	s25 =	smov.u32 s28  }
0xaf: {  	v37 =	vmul.f32 v32, v32;
	v40 =	vadd.f32 v24, v32;
	v34 =	vadd.f32 v41, v34;
	v33 =	vld [tilespmem:s28+$0xFFFFFFA0]  }
0xb0: {  	v44 =	vmul.f32 v26, v26;
	v36 =	vadd.f32 v36, v38;
	v41 =	vld [tilespmem:s28+$0xFFFFFF90]  }
0xb1: {  	v38 =	vmul.f32 v29, v29;
	v40 =	vadd.f32 v40, v42;
	v37 =	vadd.f32 v43, v37  }
0xb2: {  	v42 =	vmul.f32 v28, v28;
	v43 =	vmul.f32 v30, v30;
	v45 =	vadd.f32 v29, v30  }
0xb3: {  	v46 =	vmul.f32 v31, v31;
	v47 =	vadd.f32 v31, v28;
	v39 =	vadd.f32 v39, v40  }
0xb4: {  	v34 =	vadd.f32 v37, v34;
	v48 =	vmul.f32 v35, v35;
	v40 =	vmul.f32 v33, v33  }
0xb5: {  	v50 =	vperm.xlane v39, v0;
	v37 =	vmul.f32 v41, v41;
	v49 =	vadd.f32 v41, v26  }
0xb6: {  	v51 =	vadd.f32 v35, v33;
	v40 =	vadd.f32 v48, v40  }
0xb7: {  	v38 =	vadd.f32 v38, v43;
	v39 =	vadd.f32 v39, v50  }
0xb8: {  	v42 =	vadd.f32 v46, v42;
	v34 =	vadd.f32 v36, v34  }
0xb9: {  	v43 =	vadd.f32 v45, v47;
	v36 =	vadd.f32 v51, v49;
	v45 =	vperm.xlane v39, v1  }
0xba: {  	v38 =	vadd.f32 v38, v42;
	v42 =	vperm.xlane v34, v0;
	v37 =	vadd.f32 v37, v44  }
0xbb: {  	v36 =	vadd.f32 v43, v36  }
0xbc: {  	v34 =	vadd.f32 v34, v42;
	v39 =	vadd.f32 v39, v45  }
0xbd: {  	v37 =	vadd.f32 v40, v37;
	v40 =	vperm.xlane v36, v0  }
0xbe: {  	v42 =	vperm.xlane v34, v1;
	v43 =	vperm.xlane v39, v2  }
0xbf: {  	v37 =	vadd.f32 v38, v37;
	v36 =	vadd.f32 v36, v40  }
0xc0: {  	v34 =	vadd.f32 v34, v42;
	v38 =	vadd.f32 v43, v39  }
0xc1: {  	v39 =	vperm.xlane v37, v0;
	v40 =	vperm.xlane v36, v1  }
0xc2: {  	v42 =	vperm.xlane v34, v2;
	v43 =	vperm.xlane v38, v3  }
0xc3: {  	v37 =	vadd.f32 v37, v39;
	v36 =	vadd.f32 v36, v40  }
0xc4: {  	v34 =	vadd.f32 v42, v34;
	v38 =	vadd.f32 v43, v38  }
0xc5: {  	v39 =	vperm.xlane v37, v1;
	v40 =	vperm.xlane v36, v2  }
0xc6: {  	v42 =	vperm.xlane v34, v3;
	v38 =	vmul.f32 $7.812500000e-03, v38  }
0xc7: {  	v37 =	vadd.f32 v37, v39;
	v36 =	vadd.f32 v40, v36  }
0xc8: {  	v34 =	vadd.f32 v42, v34;
	v39 =	vsub.f32 v25, v38  }
0xc9: {  	v25 =	vperm.xlane v37, v2;
	v42 =	vsub.f32 v22, v38;
	v40 =	vperm.xlane v36, v3  }
0xca: {  	v22 =	vmul.f32 $7.812500000e-03, v34;
	v34 =	vmul.f32 v38, v38;
	v43 =	vsub.f32 v27, v38  }
0xcb: {  	v25 =	vadd.f32 v25, v37;
	v27 =	vadd.f32 v40, v36  }
0xcc: {  	v22 =	vsub.f32 v22, v34;
	v34 =	vsub.f32 v23, v38  }
0xcd: {  	v32 =	vsub.f32 v32, v38;
	v23 =	vperm.xlane v25, v3;
	v36 =	vmul.f32 $7.812500000e-03, v27  }
0xce: {  	v37 =	vsub.f32 v24, v38;
	v27 =	vadd.f32 $9.999999740e-06, v22  }
0xcf: {  	v23 =	vadd.f32 v23, v25;
	v22 =	vsub.f32 v33, v36  }
0xd0: {  	v24 =	vsub.f32 v35, v36;
	v25 =	vshra.s32 v27, $0x1;
	v33 =	vmul.f32 $5.000000000e-01, v27  }
0xd1: {  	v35 =	vmul.f32 v36, v36;
	v27 =	vmul.f32 $7.812500000e-03, v23;
	v40 =	vsub.s32 $0x5F3759DF, v25  }
0xd2: {  	v25 =	vsub.f32 v26, v36;
	v23 =	vsub.f32 v41, v36;
	v41 =	vmul.f32 v40, v33  }
0xd3: {  	v35 =	vsub.f32 v27, v35;
	v27 =	vsub.f32 v29, v36  }
0xd4: {  	v26 =	vsub.f32 v31, v36;
	v31 =	vsub.f32 v21, v38;
	v29 =	vmul.f32 v40, v41  }
0xd5: {  	v38 =	vsub.f32 v20, v38;
	v35 =	vadd.f32 $9.999999740e-06, v35  }
0xd6: {  	v21 =	vsub.f32 v28, v36;
	v28 =	vsub.f32 $1.500000000e+00, v29  }
0xd7: {  	v20 =	vsub.f32 v30, v36;
	v29 =	vshra.s32 v35, $0x1;
	v35 =	vmul.f32 $5.000000000e-01, v35  }
0xd8: {  	v29 =	vsub.s32 $0x5F3759DF, v29;
	v28 =	vmul.f32 v40, v28  }
0xd9: {  	v30 =	vmul.f32 v29, v35  }
0xda: {  	v36 =	vmul.f32 v28, v33  }
0xdb: {  	v30 =	vmul.f32 v29, v30  }
0xdc: {  	v36 =	vmul.f32 v36, v28  }
0xdd: {  	v30 =	vsub.f32 $1.500000000e+00, v30  }
0xde: {  	v36 =	vsub.f32 $1.500000000e+00, v36  }
0xdf: {  	v29 =	vmul.f32 v29, v30  }
0xe0: {  	v28 =	vmul.f32 v36, v28  }
0xe1: {  	v30 =	vmul.f32 v29, v35  }
0xe2: {  	v33 =	vmul.f32 v28, v33  }
0xe3: {  	v30 =	vmul.f32 v30, v29  }
0xe4: {  	v33 =	vmul.f32 v33, v28  }
0xe5: {  	v30 =	vsub.f32 $1.500000000e+00, v30  }
0xe6: {  	v33 =	vsub.f32 $1.500000000e+00, v33  }
0xe7: {  	v29 =	vmul.f32 v30, v29  }
0xe8: {  	v28 =	vmul.f32 v33, v28  }
0xe9: {  	v33 =	vmul.f32 v29, v35  }
0xea: {  	v35 =	vmul.f32 v28, v39;
	v36 =	vmul.f32 v28, v42  }
0xeb: {  	v39 =	vmul.f32 v28, v43;
	v34 =	vmul.f32 v28, v34  }
0xec: {  	v30 =	vmul.f32 v28, v32;
	v32 =	vmul.f32 v36, v10  }
0xed: {  	v33 =	vmul.f32 v33, v29;
	v34 =	vmul.f32 v34, v11  }
.Ltmp6:
0xee: {  	v36 =	vmul.f32 v39, v8;
	v35 =	vmul.f32 v35, v9;
	v32 =	vadd.f32 v32, v18;
	(pc) =	sbr.rel @p0 .LBB2_8-.Ltmp6, $4  }
0xef: {  	v37 =	vmul.f32 v28, v37;
	v39 =	vsub.f32 $1.500000000e+00, v33;
	v40 =	vadd.f32 v34, v19  }
0xf0: {  	v38 =	vmul.f32 v28, v38;
	v34 =	vmul.f32 v28, v31;
	v33 =	vadd.f32 v36, v16;
	[tilespmem:s28+$0x60] =	vst v32  }
0xf1: {  	v31 =	vmul.f32 v37, v7;
	v28 =	vmul.f32 v39, v29;
	v32 =	vadd.f32 v35, v17  }
0xf2: {  	v29 =	vmul.f32 v34, v4;
	v34 =	vmul.f32 v38, v5;
	[tilespmem:s28+$0x70] =	vst v40  }
0xf3: {  	[tilespmem:s25+$0x40] =	vst v33;
	v25 =	vmul.f32 v28, v25;
	v31 =	vadd.f32 v31, v15  }
0xf4: {  	[tilespmem:s25+$0x50] =	vst v32;
	v27 =	vmul.f32 v28, v27;
	v30 =	vmul.f32 v30, v6;
	v60 =	vadd.f32 v34, v13  }
0xf5: {  	v26 =	vmul.f32 v28, v26;
	v29 =	vadd.f32 v29, v12;
	v25 =	vmul.f32 v25, v4;
	[tilespmem:s25+$0x30] =	vst v31  }
0xf6: {  	v21 =	vmul.f32 v28, v21;
	v27 =	vmul.f32 v27, v11;
	v30 =	vadd.f32 v30, v14;
	[tilespmem:s25+$0x10] =	vst v60  }
0xf7: {  	v24 =	vmul.f32 v28, v24;
	v26 =	vmul.f32 v26, v9;
	[tilespmem:s25+$0x0] =	vst v29;
	v25 =	vadd.f32 v25, v12  }
0xf8: {  	v20 =	vmul.f32 v28, v20;
	v21 =	vmul.f32 v21, v8;
	v27 =	vadd.f32 v27, v19;
	[tilespmem:s25+$0x20] =	vst v30  }
0xf9: {  	v22 =	vmul.f32 v28, v22;
	v24 =	vmul.f32 v24, v7;
	v61 =	vadd.f32 v26, v17;
	[tilespmem:s25+$0xFFFFFF80] =	vst v25  }
0xfa: {  	v23 =	vmul.f32 v28, v23;
	v20 =	vmul.f32 v20, v10;
	v21 =	vadd.f32 v21, v16;
	[tilespmem:s25+$0xFFFFFFF0] =	vst v27  }
0xfb: {  	v22 =	vmul.f32 v22, v6;
	v24 =	vadd.f32 v24, v15;
	[tilespmem:s25+$0xFFFFFFD0] =	vst v61  }
0xfc: {  	v23 =	vmul.f32 v23, v5;
	v20 =	vadd.f32 v20, v18;
	[tilespmem:s25+$0xFFFFFFC0] =	vst v21  }
.Ltmp7:
0xfd: {  	s26 =	sshll.u32 s24, $0xE;
	v62 =	vadd.f32 v22, v14;
	[tilespmem:s25+$0xFFFFFFB0] =	vst v24;
	(pc) =	sbr.rel .LBB2_13-.Ltmp7, $4  }
0xfe: {  	s26 =	sadd.s32 s8, s26;
	v63 =	vadd.f32 v23, v13;
	[tilespmem:s25+$0xFFFFFFE0] =	vst v20  }
0xff: {  	s26 =	sshrl.u32 s26, $0x3;
	[tilespmem:s25+$0xFFFFFFA0] =	vst v62  }
0x100: {  	s31 =	sadd.s32 s5, s26;
	[tilespmem:s25+$0xFFFFFF90] =	vst v63  }
0x101: {  	[hbm4b:s31+s6] =	stream.linear.scatter [tilespmem:s15], [sflag:$0x5], $0x4000, $0x38;
	[tilespmem:$0xDA00] =	vst v63  }
.LBB2_10:
0x102: {  	p1 =	seq.s32 @!p0 s24, $0x0  }
0x103: {  	p1 =	por p1, p0  }
0x104: {  	s25 =	simm.s32 @!p1 $0x5  }
0x105: {  	_ =	swait.ge @!p1 [sflag:s25], $0x4000  }
0x106: {  	s26 =	sshll.u32 @!p0 s24, $0x7;
	[sflag:s25] =	ssyncset.done @!p1 $0x0  }
0x107: {  	[sflag:s25] =	ssyncadd.s32 @!p1 $0xFFFFC000;
	s25 =	sand.u32 @!p0 $0x3FFFFF80, s26  }
0x108: {  	s28 =	simm.s32 @!p0 $0x5900;
	s26 =	simm.s32 @!p0 $0x80;
	s25 =	sadd.s32 @!p0 $0x100, s25  }
0x109: {  	[tilespmem:s28], [sflag:$0x2] =	stream.indirect.gather @!p0 [hbm4b:s0+s26], $0x80, s25, s26, $0xb8;
	[tilespmem:$0xDA00] =	vst v63  }
0x10a: {  	_ =	swait.ge [sflag:s16], $0x4000  }
0x10b: {  	[sflag:s16] =	ssyncset.done $0x0  }
0x10c: {  	s25 =	simm.s32 $0x9980;
	[sflag:s16] =	ssyncadd.s32 $0xFFFFC000  }
0x10d: {  	v22 =	vld [tilespmem:s25+$0x60]  }
0x10e: {  	v23 =	vld [tilespmem:s25+$0x50]  }
0x10f: {  	v24 =	vld [tilespmem:s25+$0x70]  }
0x110: {  	v25 =	vld [tilespmem:s25+$0x40]  }
0x111: {  	v27 =	vld [tilespmem:s25+$0x30]  }
0x112: {  	v20 =	vld [tilespmem:s25+$0x10]  }
0x113: {  	v21 =	vld [tilespmem:s25+$0x0]  }
0x114: {  	v31 =	vld [tilespmem:s25+$0x20]  }
0x115: {  	v30 =	vld [tilespmem:s25+$0xFFFFFF80]  }
0x116: {  	v26 =	vld [tilespmem:s25+$0xFFFFFFF0];
	v29 =	vmul.f32 v23, v23;
	v32 =	vmul.f32 v25, v25  }
0x117: {  	v28 =	vld [tilespmem:s25+$0xFFFFFFC0];
	v33 =	vmul.f32 v24, v24;
	v34 =	vadd.f32 v23, v25;
	v37 =	vmul.f32 v22, v22  }
0x118: {  	v35 =	vld [tilespmem:s25+$0xFFFFFFD0];
	v36 =	vadd.f32 v24, v22;
	v38 =	vmul.f32 v21, v21;
	v39 =	vmul.f32 v20, v20  }
0x119: {  	v41 =	vld [tilespmem:s25+$0xFFFFFFB0];
	v40 =	vadd.f32 v20, v21;
	v58 =	vmul.f32 v27, v27;
	v42 =	vadd.f32 v27, v31  }
0x11a: {  	v43 =	vmul.f32 v31, v31;
	v32 =	vadd.f32 v29, v32;
	v29 =	vld [tilespmem:s25+$0xFFFFFFE0];
	v34 =	vadd.f32 v36, v34  }
0x11b: {  	v44 =	vmul.f32 v30, v30;
	v33 =	vadd.f32 v33, v37;
	v37 =	vld [tilespmem:s25+$0xFFFFFFA0];
	v40 =	vadd.f32 v42, v40  }
0x11c: {  	v60 =	vmul.f32 v28, v28;
	v38 =	vadd.f32 v39, v38;
	v39 =	vld [tilespmem:s25+$0xFFFFFF90];
	v36 =	vadd.f32 v58, v43  }
0x11d: {  	v46 =	vadd.f32 v35, v28;
	v50 =	vmul.f32 v35, v35;
	v34 =	vadd.f32 v34, v40  }
0x11e: {  	v59 =	vmul.f32 v26, v26;
	v32 =	vadd.f32 v33, v32;
	v36 =	vadd.f32 v36, v38  }
0x11f: {  	v47 =	vmul.f32 v41, v41;
	v42 =	vadd.f32 v50, v60;
	v48 =	vperm.xlane v34, v0  }
0x120: {  	v32 =	vadd.f32 v32, v36;
	v61 =	vadd.f32 v26, v29;
	v62 =	vmul.f32 v37, v37  }
0x121: {  	v45 =	vmul.f32 v29, v29;
	v63 =	vadd.f32 v39, v30;
	v49 =	vadd.f32 v41, v37  }
0x122: {  	v51 =	vmul.f32 v39, v39;
	v34 =	vadd.f32 v34, v48;
	v40 =	vadd.f32 v47, v62  }
0x123: {  	v52 =	vperm.xlane v32, v0;
	v33 =	vadd.f32 v59, v45;
	v38 =	vadd.f32 v49, v63  }
0x124: {  	v43 =	vadd.f32 v61, v46;
	v36 =	vadd.f32 v51, v44  }
0x125: {  	v53 =	vperm.xlane v34, v1;
	v32 =	vadd.f32 v32, v52;
	v33 =	vadd.f32 v33, v42  }
0x126: {  	v38 =	vadd.f32 v43, v38;
	v36 =	vadd.f32 v40, v36  }
0x127: {  	v34 =	vadd.f32 v34, v53;
	v54 =	vperm.xlane v32, v1  }
0x128: {  	v55 =	vperm.xlane v38, v0;
	v33 =	vadd.f32 v33, v36  }
0x129: {  	v56 =	vperm.xlane v34, v2;
	v32 =	vadd.f32 v32, v54  }
0x12a: {  	v38 =	vadd.f32 v38, v55;
	v57 =	vperm.xlane v33, v0  }
0x12b: {  	v34 =	vadd.f32 v56, v34;
	v58 =	vperm.xlane v32, v2  }
0x12c: {  	v42 =	vperm.xlane v38, v1;
	v33 =	vadd.f32 v33, v57  }
0x12d: {  	v59 =	vperm.xlane v34, v3;
	v32 =	vadd.f32 v58, v32  }
0x12e: {  	v60 =	vadd.f32 v38, v42;
	v61 =	vperm.xlane v33, v1  }
0x12f: {  	v34 =	vadd.f32 v59, v34;
	v62 =	vperm.xlane v32, v3  }
0x130: {  	v42 =	vperm.xlane v60, v2;
	v33 =	vadd.f32 v33, v61  }
0x131: {  	v34 =	vmul.f32 $7.812500000e-03, v34;
	v32 =	vadd.f32 v62, v32  }
0x132: {  	v36 =	vadd.f32 v42, v60;
	v38 =	vperm.xlane v33, v2  }
0x133: {  	v32 =	vmul.f32 $7.812500000e-03, v32;
	v63 =	vmul.f32 v34, v34  }
0x134: {  	v42 =	vperm.xlane v36, v3;
	v33 =	vadd.f32 v38, v33  }
0x135: {  	v32 =	vsub.f32 v32, v63  }
0x136: {  	v36 =	vadd.f32 v42, v36;
	v38 =	vperm.xlane v33, v3  }
0x137: {  	v32 =	vadd.f32 $9.999999740e-06, v32  }
0x138: {  	v36 =	vmul.f32 $7.812500000e-03, v36;
	v33 =	vadd.f32 v38, v33  }
0x139: {  	v44 =	vshra.s32 v32, $0x1;
	v32 =	vmul.f32 $5.000000000e-01, v32  }
0x13a: {  	v33 =	vmul.f32 $7.812500000e-03, v33;
	v45 =	vmul.f32 v36, v36;
	v38 =	vsub.s32 $0x5F3759DF, v44  }
0x13b: {  	v46 =	vmul.f32 v38, v32  }
0x13c: {  	v33 =	vsub.f32 v33, v45  }
0x13d: {  	v47 =	vmul.f32 v38, v46  }
0x13e: {  	v33 =	vadd.f32 $9.999999740e-06, v33  }
0x13f: {  	v40 =	vsub.f32 $1.500000000e+00, v47  }
0x140: {  	v48 =	vshra.s32 v33, $0x1;
	v33 =	vmul.f32 $5.000000000e-01, v33  }
0x141: {  	v42 =	vsub.s32 $0x5F3759DF, v48;
	v38 =	vmul.f32 v38, v40  }
0x142: {  	v49 =	vmul.f32 v42, v33  }
0x143: {  	v50 =	vmul.f32 v38, v32  }
0x144: {  	v40 =	vmul.f32 v42, v49  }
0x145: {  	v43 =	vmul.f32 v50, v38  }
0x146: {  	v40 =	vsub.f32 $1.500000000e+00, v40  }
0x147: {  	v43 =	vsub.f32 $1.500000000e+00, v43  }
0x148: {  	v40 =	vmul.f32 v42, v40  }
0x149: {  	v38 =	vmul.f32 v43, v38  }
0x14a: {  	v42 =	vmul.f32 v40, v33  }
0x14b: {  	v32 =	vmul.f32 v38, v32  }
0x14c: {  	v51 =	vsub.f32 v23, v34;
	v23 =	vmul.f32 v42, v40  }
0x14d: {  	v52 =	vsub.f32 v22, v34;
	v53 =	vsub.f32 v25, v34;
	v22 =	vmul.f32 v32, v38  }
0x14e: {  	v54 =	vsub.f32 v24, v34;
	v23 =	vsub.f32 $1.500000000e+00, v23  }
0x14f: {  	v31 =	vsub.f32 v31, v34;
	v55 =	vsub.f32 $1.500000000e+00, v22  }
0x150: {  	v56 =	vsub.f32 v27, v34;
	v60 =	vsub.f32 v21, v34;
	v57 =	vmul.f32 v23, v40  }
0x151: {  	v34 =	vsub.f32 v20, v34;
	v24 =	vsub.f32 v41, v36;
	v38 =	vmul.f32 v55, v38  }
0x152: {  	v25 =	vsub.f32 v30, v36;
	v27 =	vsub.f32 v26, v36;
	v33 =	vmul.f32 v57, v33  }
0x153: {  	v26 =	vsub.f32 v35, v36;
	v58 =	vmul.f32 v38, v51;
	v59 =	vmul.f32 v38, v52  }
0x154: {  	v21 =	vsub.f32 v28, v36;
	v61 =	vmul.f32 v38, v53;
	v32 =	vmul.f32 v38, v54  }
0x155: {  	v20 =	vsub.f32 v29, v36;
	v30 =	vmul.f32 v38, v31;
	v62 =	vmul.f32 v38, v56  }
0x156: {  	v22 =	vsub.f32 v37, v36;
	v28 =	vmul.f32 v33, v57;
	v31 =	vmul.f32 v59, v10  }
0x157: {  	v23 =	vsub.f32 v39, v36;
	v34 =	vmul.f32 v38, v34;
	v32 =	vmul.f32 v32, v11  }
0x158: {  	v29 =	vmul.f32 v61, v8;
	v28 =	vsub.f32 $1.500000000e+00, v28;
	v31 =	vadd.f32 v31, v18  }
0x159: {  	v40 =	vmul.f32 v38, v60;
	v35 =	vmul.f32 v58, v9;
	v63 =	vadd.f32 v32, v19  }
0x15a: {  	v34 =	vmul.f32 v34, v5;
	v33 =	vadd.f32 v29, v16;
	v28 =	vmul.f32 v28, v57;
	[tilespmem:s25+$0x60] =	vst v31  }
0x15b: {  	s26 =	simm.s32 $0x0;
	s28 =	simm.s32 $0x9980;
	v32 =	vadd.f32 v35, v17;
	v29 =	vmul.f32 v40, v4;
	v31 =	vmul.f32 v62, v7;
	[tilespmem:s25+$0x70] =	vst v63  }
.LBB2_11:
0x15c: {  	s26 =	sadd.s32 $0x2, s26;
	v35 =	vmul.f32 v28, v22;
	v36 =	vmul.f32 v28, v24;
	[tilespmem:s25+$0x40] =	vst v33;
	s28 =	sadd.s32 $0x100, s28  }
0x15d: {  	v24 =	vmul.f32 v28, v25;
	v33 =	vmul.f32 v28, v23;
	v22 =	vld [tilespmem:s28+$0x60];
	p0 =	slt.u32 s26, $0x7E;
	v34 =	vadd.f32 v34, v13;
	[tilespmem:s25+$0x50] =	vst v32  }
0x15e: {  	v30 =	vmul.f32 v30, v6;
	v31 =	vadd.f32 v31, v15;
	v32 =	vmul.f32 v28, v27;
	v25 =	vld [tilespmem:s28+$0x50]  }
0x15f: {  	v26 =	vmul.f32 v28, v26;
	v29 =	vadd.f32 v29, v12;
	v37 =	vmul.f32 v24, v4;
	v23 =	vld [tilespmem:s28+$0x70];
	[tilespmem:s25+$0x10] =	vst v34  }
0x160: {  	v21 =	vmul.f32 v28, v21;
	v30 =	vadd.f32 v30, v14;
	v32 =	vmul.f32 v32, v11;
	v27 =	vld [tilespmem:s28+$0x40];
	[tilespmem:s25+$0x30] =	vst v31  }
0x161: {  	v28 =	vmul.f32 v28, v20;
	v26 =	vmul.f32 v26, v9;
	v31 =	vadd.f32 v37, v12;
	v24 =	vld [tilespmem:s28+$0x30];
	[tilespmem:s25+$0x0] =	vst v29  }
0x162: {  	v34 =	vmul.f32 v21, v8;
	v29 =	vmul.f32 v36, v7;
	v32 =	vadd.f32 v32, v19;
	v20 =	vld [tilespmem:s28+$0x10];
	[tilespmem:s25+$0x20] =	vst v30  }
0x163: {  	v28 =	vmul.f32 v28, v10;
	v21 =	vld [tilespmem:s28+$0x0];
	v30 =	vmul.f32 v25, v25;
	[tilespmem:s25+$0xFFFFFF80] =	vst v31;
	v31 =	vadd.f32 v26, v17  }
0x164: {  	v34 =	vadd.f32 v34, v16;
	v37 =	vadd.f32 v29, v15;
	v26 =	vld [tilespmem:s28+$0xFFFFFF80];
	v36 =	vmul.f32 v23, v23;
	[tilespmem:s25+$0xFFFFFFF0] =	vst v32  }
0x165: {  	v35 =	vmul.f32 v35, v6;
	v32 =	vld [tilespmem:s28+$0x20];
	v38 =	vmul.f32 v27, v27;
	v39 =	vadd.f32 v25, v27;
	[tilespmem:s25+$0xFFFFFFD0] =	vst v31  }
0x166: {  	v33 =	vmul.f32 v33, v5;
	v29 =	vld [tilespmem:s28+$0xFFFFFFF0];
	[tilespmem:s25+$0xFFFFFFC0] =	vst v34;
	v34 =	vadd.f32 v28, v18  }
0x167: {  	v35 =	vadd.f32 v35, v14;
	v28 =	vld [tilespmem:s28+$0xFFFFFFC0];
	v38 =	vadd.f32 v30, v38;
	[tilespmem:s25+$0xFFFFFFB0] =	vst v37  }
0x168: {  	v33 =	vadd.f32 v33, v13;
	v40 =	vadd.f32 v23, v22;
	v37 =	vmul.f32 v22, v22;
	v31 =	vld [tilespmem:s28+$0xFFFFFFD0];
	[tilespmem:s25+$0xFFFFFFE0] =	vst v34  }
0x169: {  	v41 =	vmul.f32 v20, v20;
	v34 =	vmul.f32 v21, v21;
	v42 =	vadd.f32 v20, v21;
	v30 =	vld [tilespmem:s28+$0xFFFFFFE0];
	[tilespmem:s25+$0xFFFFFFA0] =	vst v35  }
0x16a: {  	v43 =	vmul.f32 v24, v24;
	v39 =	vadd.f32 v40, v39;
	v36 =	vadd.f32 v36, v37;
	v35 =	vld [tilespmem:s28+$0xFFFFFFB0];
	[tilespmem:s25+$0xFFFFFF90] =	vst v33;
	s25 =	smov.u32 s28  }
0x16b: {  	v37 =	vmul.f32 v32, v32;
	v40 =	vadd.f32 v24, v32;
	v34 =	vadd.f32 v41, v34;
	v33 =	vld [tilespmem:s28+$0xFFFFFFA0]  }
0x16c: {  	v44 =	vmul.f32 v26, v26;
	v36 =	vadd.f32 v36, v38;
	v41 =	vld [tilespmem:s28+$0xFFFFFF90]  }
0x16d: {  	v38 =	vmul.f32 v29, v29;
	v40 =	vadd.f32 v40, v42;
	v37 =	vadd.f32 v43, v37  }
0x16e: {  	v42 =	vmul.f32 v28, v28;
	v43 =	vmul.f32 v30, v30;
	v45 =	vadd.f32 v29, v30  }
0x16f: {  	v46 =	vmul.f32 v31, v31;
	v47 =	vadd.f32 v31, v28;
	v39 =	vadd.f32 v39, v40  }
0x170: {  	v34 =	vadd.f32 v37, v34;
	v48 =	vmul.f32 v35, v35;
	v40 =	vmul.f32 v33, v33  }
0x171: {  	v50 =	vperm.xlane v39, v0;
	v37 =	vmul.f32 v41, v41;
	v49 =	vadd.f32 v41, v26  }
0x172: {  	v51 =	vadd.f32 v35, v33;
	v40 =	vadd.f32 v48, v40  }
0x173: {  	v38 =	vadd.f32 v38, v43;
	v39 =	vadd.f32 v39, v50  }
0x174: {  	v42 =	vadd.f32 v46, v42;
	v34 =	vadd.f32 v36, v34  }
0x175: {  	v43 =	vadd.f32 v45, v47;
	v36 =	vadd.f32 v51, v49;
	v45 =	vperm.xlane v39, v1  }
0x176: {  	v38 =	vadd.f32 v38, v42;
	v42 =	vperm.xlane v34, v0;
	v37 =	vadd.f32 v37, v44  }
0x177: {  	v36 =	vadd.f32 v43, v36  }
0x178: {  	v34 =	vadd.f32 v34, v42;
	v39 =	vadd.f32 v39, v45  }
0x179: {  	v37 =	vadd.f32 v40, v37;
	v40 =	vperm.xlane v36, v0  }
0x17a: {  	v42 =	vperm.xlane v34, v1;
	v43 =	vperm.xlane v39, v2  }
0x17b: {  	v37 =	vadd.f32 v38, v37;
	v36 =	vadd.f32 v36, v40  }
0x17c: {  	v34 =	vadd.f32 v34, v42;
	v38 =	vadd.f32 v43, v39  }
0x17d: {  	v39 =	vperm.xlane v37, v0;
	v40 =	vperm.xlane v36, v1  }
0x17e: {  	v42 =	vperm.xlane v34, v2;
	v43 =	vperm.xlane v38, v3  }
0x17f: {  	v37 =	vadd.f32 v37, v39;
	v36 =	vadd.f32 v36, v40  }
0x180: {  	v34 =	vadd.f32 v42, v34;
	v38 =	vadd.f32 v43, v38  }
0x181: {  	v39 =	vperm.xlane v37, v1;
	v40 =	vperm.xlane v36, v2  }
0x182: {  	v42 =	vperm.xlane v34, v3;
	v38 =	vmul.f32 $7.812500000e-03, v38  }
0x183: {  	v37 =	vadd.f32 v37, v39;
	v36 =	vadd.f32 v40, v36  }
0x184: {  	v34 =	vadd.f32 v42, v34;
	v39 =	vsub.f32 v25, v38  }
0x185: {  	v25 =	vperm.xlane v37, v2;
	v42 =	vsub.f32 v22, v38;
	v40 =	vperm.xlane v36, v3  }
0x186: {  	v22 =	vmul.f32 $7.812500000e-03, v34;
	v34 =	vmul.f32 v38, v38;
	v43 =	vsub.f32 v27, v38  }
0x187: {  	v25 =	vadd.f32 v25, v37;
	v27 =	vadd.f32 v40, v36  }
0x188: {  	v22 =	vsub.f32 v22, v34;
	v34 =	vsub.f32 v23, v38  }
0x189: {  	v32 =	vsub.f32 v32, v38;
	v23 =	vperm.xlane v25, v3;
	v36 =	vmul.f32 $7.812500000e-03, v27  }
0x18a: {  	v37 =	vsub.f32 v24, v38;
	v27 =	vadd.f32 $9.999999740e-06, v22  }
0x18b: {  	v23 =	vadd.f32 v23, v25;
	v22 =	vsub.f32 v33, v36  }
0x18c: {  	v24 =	vsub.f32 v35, v36;
	v25 =	vshra.s32 v27, $0x1;
	v33 =	vmul.f32 $5.000000000e-01, v27  }
0x18d: {  	v35 =	vmul.f32 v36, v36;
	v27 =	vmul.f32 $7.812500000e-03, v23;
	v40 =	vsub.s32 $0x5F3759DF, v25  }
0x18e: {  	v25 =	vsub.f32 v26, v36;
	v23 =	vsub.f32 v41, v36;
	v41 =	vmul.f32 v40, v33  }
0x18f: {  	v35 =	vsub.f32 v27, v35;
	v27 =	vsub.f32 v29, v36  }
0x190: {  	v26 =	vsub.f32 v31, v36;
	v31 =	vsub.f32 v21, v38;
	v29 =	vmul.f32 v40, v41  }
0x191: {  	v38 =	vsub.f32 v20, v38;
	v35 =	vadd.f32 $9.999999740e-06, v35  }
0x192: {  	v21 =	vsub.f32 v28, v36;
	v28 =	vsub.f32 $1.500000000e+00, v29  }
0x193: {  	v20 =	vsub.f32 v30, v36;
	v29 =	vshra.s32 v35, $0x1;
	v35 =	vmul.f32 $5.000000000e-01, v35  }
0x194: {  	v29 =	vsub.s32 $0x5F3759DF, v29;
	v28 =	vmul.f32 v40, v28  }
0x195: {  	v30 =	vmul.f32 v29, v35  }
0x196: {  	v36 =	vmul.f32 v28, v33  }
0x197: {  	v30 =	vmul.f32 v29, v30  }
0x198: {  	v36 =	vmul.f32 v36, v28  }
0x199: {  	v30 =	vsub.f32 $1.500000000e+00, v30  }
0x19a: {  	v36 =	vsub.f32 $1.500000000e+00, v36  }
0x19b: {  	v29 =	vmul.f32 v29, v30  }
0x19c: {  	v28 =	vmul.f32 v36, v28  }
0x19d: {  	v30 =	vmul.f32 v29, v35  }
0x19e: {  	v33 =	vmul.f32 v28, v33  }
0x19f: {  	v30 =	vmul.f32 v30, v29  }
0x1a0: {  	v33 =	vmul.f32 v33, v28  }
0x1a1: {  	v30 =	vsub.f32 $1.500000000e+00, v30  }
0x1a2: {  	v33 =	vsub.f32 $1.500000000e+00, v33  }
0x1a3: {  	v29 =	vmul.f32 v30, v29  }
0x1a4: {  	v28 =	vmul.f32 v33, v28  }
0x1a5: {  	v33 =	vmul.f32 v29, v35  }
0x1a6: {  	v35 =	vmul.f32 v28, v39;
	v36 =	vmul.f32 v28, v42  }
0x1a7: {  	v39 =	vmul.f32 v28, v43;
	v34 =	vmul.f32 v28, v34  }
0x1a8: {  	v30 =	vmul.f32 v28, v32;
	v32 =	vmul.f32 v36, v10  }
0x1a9: {  	v33 =	vmul.f32 v33, v29;
	v34 =	vmul.f32 v34, v11  }
.Ltmp8:
0x1aa: {  	v36 =	vmul.f32 v39, v8;
	v35 =	vmul.f32 v35, v9;
	v32 =	vadd.f32 v32, v18;
	(pc) =	sbr.rel @p0 .LBB2_11-.Ltmp8, $4  }
0x1ab: {  	v37 =	vmul.f32 v28, v37;
	v39 =	vsub.f32 $1.500000000e+00, v33;
	v40 =	vadd.f32 v34, v19  }
0x1ac: {  	v38 =	vmul.f32 v28, v38;
	v34 =	vmul.f32 v28, v31;
	v33 =	vadd.f32 v36, v16;
	[tilespmem:s28+$0x60] =	vst v32  }
0x1ad: {  	v31 =	vmul.f32 v37, v7;
	v28 =	vmul.f32 v39, v29;
	v32 =	vadd.f32 v35, v17  }
0x1ae: {  	v29 =	vmul.f32 v34, v4;
	v34 =	vmul.f32 v38, v5;
	[tilespmem:s28+$0x70] =	vst v40  }
0x1af: {  	[tilespmem:s25+$0x40] =	vst v33;
	v25 =	vmul.f32 v28, v25;
	v31 =	vadd.f32 v31, v15  }
0x1b0: {  	[tilespmem:s25+$0x50] =	vst v32;
	v27 =	vmul.f32 v28, v27;
	v30 =	vmul.f32 v30, v6;
	v60 =	vadd.f32 v34, v13  }
0x1b1: {  	v26 =	vmul.f32 v28, v26;
	v29 =	vadd.f32 v29, v12;
	v25 =	vmul.f32 v25, v4;
	[tilespmem:s25+$0x30] =	vst v31  }
0x1b2: {  	v21 =	vmul.f32 v28, v21;
	v27 =	vmul.f32 v27, v11;
	v30 =	vadd.f32 v30, v14;
	[tilespmem:s25+$0x10] =	vst v60  }
0x1b3: {  	v24 =	vmul.f32 v28, v24;
	v26 =	vmul.f32 v26, v9;
	[tilespmem:s25+$0x0] =	vst v29;
	v25 =	vadd.f32 v25, v12  }
0x1b4: {  	v20 =	vmul.f32 v28, v20;
	v21 =	vmul.f32 v21, v8;
	v27 =	vadd.f32 v27, v19;
	[tilespmem:s25+$0x20] =	vst v30  }
0x1b5: {  	v22 =	vmul.f32 v28, v22;
	v24 =	vmul.f32 v24, v7;
	v61 =	vadd.f32 v26, v17;
	[tilespmem:s25+$0xFFFFFF80] =	vst v25  }
0x1b6: {  	v23 =	vmul.f32 v28, v23;
	v20 =	vmul.f32 v20, v10;
	v21 =	vadd.f32 v21, v16;
	[tilespmem:s25+$0xFFFFFFF0] =	vst v27  }
0x1b7: {  	v22 =	vmul.f32 v22, v6;
	v24 =	vadd.f32 v24, v15;
	[tilespmem:s25+$0xFFFFFFD0] =	vst v61  }
0x1b8: {  	v23 =	vmul.f32 v23, v5;
	v20 =	vadd.f32 v20, v18;
	[tilespmem:s25+$0xFFFFFFC0] =	vst v21  }
.Ltmp9:
0x1b9: {  	s26 =	sshll.u32 s24, $0xE;
	v62 =	vadd.f32 v22, v14;
	[tilespmem:s25+$0xFFFFFFB0] =	vst v24;
	(pc) =	sbr.rel .LBB2_13-.Ltmp9, $4  }
0x1ba: {  	s26 =	sadd.s32 s8, s26;
	v63 =	vadd.f32 v23, v13;
	[tilespmem:s25+$0xFFFFFFE0] =	vst v20  }
0x1bb: {  	s26 =	sshrl.u32 s26, $0x3;
	[tilespmem:s25+$0xFFFFFFA0] =	vst v62  }
0x1bc: {  	s31 =	sadd.s32 s5, s26;
	[tilespmem:s25+$0xFFFFFF90] =	vst v63  }
0x1bd: {  	[hbm4b:s31+s6] =	stream.linear.scatter [tilespmem:s17], [sflag:$0x6], $0x4000, $0x38;
	[tilespmem:$0xDA00] =	vst v63  }
.LBB2_4:
0x1be: {  	p1 =	seq.s32 @!p0 s24, $0x0  }
0x1bf: {  	p1 =	por p1, p0  }
0x1c0: {  	s26 =	simm.s32 @!p1 $0x6  }
0x1c1: {  	_ =	swait.ge @!p1 [sflag:s26], $0x4000  }
0x1c2: {  	s25 =	sand.u32 @!p0 $0x3FFFFF80, s25;
	s28 =	simm.s32 @!p0 $0x9900;
	[sflag:s26] =	ssyncset.done @!p1 $0x0  }
0x1c3: {  	s25 =	sadd.s32 @!p0 $0x100, s25;
	[sflag:s26] =	ssyncadd.s32 @!p1 $0xFFFFC000;
	s26 =	simm.s32 @!p0 $0x80  }
0x1c4: {  	[tilespmem:s28], [sflag:$0x3] =	stream.indirect.gather @!p0 [hbm4b:s0+s26], $0x80, s25, s26, $0xb8;
	[tilespmem:$0xDA00] =	vst v63  }
0x1c5: {  	_ =	swait.ge [sflag:s22], $0x4000  }
0x1c6: {  	[sflag:s22] =	ssyncset.done $0x0  }
0x1c7: {  	s25 =	simm.s32 $0x1980;
	[sflag:s22] =	ssyncadd.s32 $0xFFFFC000  }
0x1c8: {  	v22 =	vld [tilespmem:s25+$0x60]  }
0x1c9: {  	v23 =	vld [tilespmem:s25+$0x50]  }
0x1ca: {  	v24 =	vld [tilespmem:s25+$0x70]  }
0x1cb: {  	v25 =	vld [tilespmem:s25+$0x40]  }
0x1cc: {  	v27 =	vld [tilespmem:s25+$0x30]  }
0x1cd: {  	v20 =	vld [tilespmem:s25+$0x10]  }
0x1ce: {  	v21 =	vld [tilespmem:s25+$0x0]  }
0x1cf: {  	v31 =	vld [tilespmem:s25+$0x20]  }
0x1d0: {  	v30 =	vld [tilespmem:s25+$0xFFFFFF80]  }
0x1d1: {  	v26 =	vld [tilespmem:s25+$0xFFFFFFF0];
	v29 =	vmul.f32 v23, v23;
	v32 =	vmul.f32 v25, v25  }
0x1d2: {  	v28 =	vld [tilespmem:s25+$0xFFFFFFC0];
	v33 =	vmul.f32 v24, v24;
	v34 =	vadd.f32 v23, v25;
	v37 =	vmul.f32 v22, v22  }
0x1d3: {  	v35 =	vld [tilespmem:s25+$0xFFFFFFD0];
	v36 =	vadd.f32 v24, v22;
	v38 =	vmul.f32 v21, v21;
	v39 =	vmul.f32 v20, v20  }
0x1d4: {  	v41 =	vld [tilespmem:s25+$0xFFFFFFB0];
	v40 =	vadd.f32 v20, v21;
	v58 =	vmul.f32 v27, v27;
	v42 =	vadd.f32 v27, v31  }
0x1d5: {  	v43 =	vmul.f32 v31, v31;
	v32 =	vadd.f32 v29, v32;
	v29 =	vld [tilespmem:s25+$0xFFFFFFE0];
	v34 =	vadd.f32 v36, v34  }
0x1d6: {  	v44 =	vmul.f32 v30, v30;
	v33 =	vadd.f32 v33, v37;
	v37 =	vld [tilespmem:s25+$0xFFFFFFA0];
	v40 =	vadd.f32 v42, v40  }
0x1d7: {  	v60 =	vmul.f32 v28, v28;
	v38 =	vadd.f32 v39, v38;
	v39 =	vld [tilespmem:s25+$0xFFFFFF90];
	v36 =	vadd.f32 v58, v43  }
0x1d8: {  	v46 =	vadd.f32 v35, v28;
	v50 =	vmul.f32 v35, v35;
	v34 =	vadd.f32 v34, v40  }
0x1d9: {  	v59 =	vmul.f32 v26, v26;
	v32 =	vadd.f32 v33, v32;
	v36 =	vadd.f32 v36, v38  }
0x1da: {  	v47 =	vmul.f32 v41, v41;
	v42 =	vadd.f32 v50, v60;
	v48 =	vperm.xlane v34, v0  }
0x1db: {  	v32 =	vadd.f32 v32, v36;
	v61 =	vadd.f32 v26, v29;
	v62 =	vmul.f32 v37, v37  }
0x1dc: {  	v45 =	vmul.f32 v29, v29;
	v63 =	vadd.f32 v39, v30;
	v49 =	vadd.f32 v41, v37  }
0x1dd: {  	v51 =	vmul.f32 v39, v39;
	v34 =	vadd.f32 v34, v48;
	v40 =	vadd.f32 v47, v62  }
0x1de: {  	v52 =	vperm.xlane v32, v0;
	v33 =	vadd.f32 v59, v45;
	v38 =	vadd.f32 v49, v63  }
0x1df: {  	v43 =	vadd.f32 v61, v46;
	v36 =	vadd.f32 v51, v44  }
0x1e0: {  	v53 =	vperm.xlane v34, v1;
	v32 =	vadd.f32 v32, v52;
	v33 =	vadd.f32 v33, v42  }
0x1e1: {  	v38 =	vadd.f32 v43, v38;
	v36 =	vadd.f32 v40, v36  }
0x1e2: {  	v34 =	vadd.f32 v34, v53;
	v54 =	vperm.xlane v32, v1  }
0x1e3: {  	v55 =	vperm.xlane v38, v0;
	v33 =	vadd.f32 v33, v36  }
0x1e4: {  	v56 =	vperm.xlane v34, v2;
	v32 =	vadd.f32 v32, v54  }
0x1e5: {  	v38 =	vadd.f32 v38, v55;
	v57 =	vperm.xlane v33, v0  }
0x1e6: {  	v34 =	vadd.f32 v56, v34;
	v58 =	vperm.xlane v32, v2  }
0x1e7: {  	v42 =	vperm.xlane v38, v1;
	v33 =	vadd.f32 v33, v57  }
0x1e8: {  	v59 =	vperm.xlane v34, v3;
	v32 =	vadd.f32 v58, v32  }
0x1e9: {  	v60 =	vadd.f32 v38, v42;
	v61 =	vperm.xlane v33, v1  }
0x1ea: {  	v34 =	vadd.f32 v59, v34;
	v62 =	vperm.xlane v32, v3  }
0x1eb: {  	v42 =	vperm.xlane v60, v2;
	v33 =	vadd.f32 v33, v61  }
0x1ec: {  	v34 =	vmul.f32 $7.812500000e-03, v34;
	v32 =	vadd.f32 v62, v32  }
0x1ed: {  	v36 =	vadd.f32 v42, v60;
	v38 =	vperm.xlane v33, v2  }
0x1ee: {  	v32 =	vmul.f32 $7.812500000e-03, v32;
	v63 =	vmul.f32 v34, v34  }
0x1ef: {  	v42 =	vperm.xlane v36, v3;
	v33 =	vadd.f32 v38, v33  }
0x1f0: {  	v32 =	vsub.f32 v32, v63  }
0x1f1: {  	v36 =	vadd.f32 v42, v36;
	v38 =	vperm.xlane v33, v3  }
0x1f2: {  	v32 =	vadd.f32 $9.999999740e-06, v32  }
0x1f3: {  	v36 =	vmul.f32 $7.812500000e-03, v36;
	v33 =	vadd.f32 v38, v33  }
0x1f4: {  	v44 =	vshra.s32 v32, $0x1;
	v32 =	vmul.f32 $5.000000000e-01, v32  }
0x1f5: {  	v33 =	vmul.f32 $7.812500000e-03, v33;
	v45 =	vmul.f32 v36, v36;
	v38 =	vsub.s32 $0x5F3759DF, v44  }
0x1f6: {  	v46 =	vmul.f32 v38, v32  }
0x1f7: {  	v33 =	vsub.f32 v33, v45  }
0x1f8: {  	v47 =	vmul.f32 v38, v46  }
0x1f9: {  	v33 =	vadd.f32 $9.999999740e-06, v33  }
0x1fa: {  	v40 =	vsub.f32 $1.500000000e+00, v47  }
0x1fb: {  	v48 =	vshra.s32 v33, $0x1;
	v33 =	vmul.f32 $5.000000000e-01, v33  }
0x1fc: {  	v42 =	vsub.s32 $0x5F3759DF, v48;
	v38 =	vmul.f32 v38, v40  }
0x1fd: {  	v49 =	vmul.f32 v42, v33  }
0x1fe: {  	v50 =	vmul.f32 v38, v32  }
0x1ff: {  	v40 =	vmul.f32 v42, v49  }
0x200: {  	v43 =	vmul.f32 v50, v38  }
0x201: {  	v40 =	vsub.f32 $1.500000000e+00, v40  }
0x202: {  	v43 =	vsub.f32 $1.500000000e+00, v43  }
0x203: {  	v40 =	vmul.f32 v42, v40  }
0x204: {  	v38 =	vmul.f32 v43, v38  }
0x205: {  	v42 =	vmul.f32 v40, v33  }
0x206: {  	v32 =	vmul.f32 v38, v32  }
0x207: {  	v51 =	vsub.f32 v23, v34;
	v23 =	vmul.f32 v42, v40  }
0x208: {  	v52 =	vsub.f32 v22, v34;
	v53 =	vsub.f32 v25, v34;
	v22 =	vmul.f32 v32, v38  }
0x209: {  	v54 =	vsub.f32 v24, v34;
	v23 =	vsub.f32 $1.500000000e+00, v23  }
0x20a: {  	v31 =	vsub.f32 v31, v34;
	v55 =	vsub.f32 $1.500000000e+00, v22  }
0x20b: {  	v56 =	vsub.f32 v27, v34;
	v60 =	vsub.f32 v21, v34;
	v57 =	vmul.f32 v23, v40  }
0x20c: {  	v34 =	vsub.f32 v20, v34;
	v24 =	vsub.f32 v41, v36;
	v38 =	vmul.f32 v55, v38  }
0x20d: {  	v25 =	vsub.f32 v30, v36;
	v27 =	vsub.f32 v26, v36;
	v33 =	vmul.f32 v57, v33  }
0x20e: {  	v26 =	vsub.f32 v35, v36;
	v58 =	vmul.f32 v38, v51;
	v59 =	vmul.f32 v38, v52  }
0x20f: {  	v21 =	vsub.f32 v28, v36;
	v61 =	vmul.f32 v38, v53;
	v32 =	vmul.f32 v38, v54  }
0x210: {  	v20 =	vsub.f32 v29, v36;
	v30 =	vmul.f32 v38, v31;
	v62 =	vmul.f32 v38, v56  }
0x211: {  	v22 =	vsub.f32 v37, v36;
	v28 =	vmul.f32 v33, v57;
	v31 =	vmul.f32 v59, v10  }
0x212: {  	v23 =	vsub.f32 v39, v36;
	v34 =	vmul.f32 v38, v34;
	v32 =	vmul.f32 v32, v11  }
0x213: {  	v29 =	vmul.f32 v61, v8;
	v28 =	vsub.f32 $1.500000000e+00, v28;
	v31 =	vadd.f32 v31, v18  }
0x214: {  	v40 =	vmul.f32 v38, v60;
	v35 =	vmul.f32 v58, v9;
	v63 =	vadd.f32 v32, v19  }
0x215: {  	v34 =	vmul.f32 v34, v5;
	v33 =	vadd.f32 v29, v16;
	v28 =	vmul.f32 v28, v57;
	[tilespmem:s25+$0x60] =	vst v31  }
0x216: {  	s26 =	simm.s32 $0x0;
	s28 =	simm.s32 $0x1980;
	v32 =	vadd.f32 v35, v17;
	v29 =	vmul.f32 v40, v4;
	v31 =	vmul.f32 v62, v7;
	[tilespmem:s25+$0x70] =	vst v63  }
.LBB2_5:
0x217: {  	s26 =	sadd.s32 $0x2, s26;
	v35 =	vmul.f32 v28, v22;
	v36 =	vmul.f32 v28, v24;
	[tilespmem:s25+$0x40] =	vst v33;
	s28 =	sadd.s32 $0x100, s28  }
0x218: {  	v24 =	vmul.f32 v28, v25;
	v33 =	vmul.f32 v28, v23;
	v22 =	vld [tilespmem:s28+$0x60];
	p0 =	slt.u32 s26, $0x7E;
	v34 =	vadd.f32 v34, v13;
	[tilespmem:s25+$0x50] =	vst v32  }
0x219: {  	v30 =	vmul.f32 v30, v6;
	v31 =	vadd.f32 v31, v15;
	v32 =	vmul.f32 v28, v27;
	v25 =	vld [tilespmem:s28+$0x50]  }
0x21a: {  	v26 =	vmul.f32 v28, v26;
	v29 =	vadd.f32 v29, v12;
	v37 =	vmul.f32 v24, v4;
	v23 =	vld [tilespmem:s28+$0x70];
	[tilespmem:s25+$0x10] =	vst v34  }
0x21b: {  	v21 =	vmul.f32 v28, v21;
	v30 =	vadd.f32 v30, v14;
	v32 =	vmul.f32 v32, v11;
	v27 =	vld [tilespmem:s28+$0x40];
	[tilespmem:s25+$0x30] =	vst v31  }
0x21c: {  	v28 =	vmul.f32 v28, v20;
	v26 =	vmul.f32 v26, v9;
	v31 =	vadd.f32 v37, v12;
	v24 =	vld [tilespmem:s28+$0x30];
	[tilespmem:s25+$0x0] =	vst v29  }
0x21d: {  	v34 =	vmul.f32 v21, v8;
	v29 =	vmul.f32 v36, v7;
	v32 =	vadd.f32 v32, v19;
	v20 =	vld [tilespmem:s28+$0x10];
	[tilespmem:s25+$0x20] =	vst v30  }
0x21e: {  	v28 =	vmul.f32 v28, v10;
	v21 =	vld [tilespmem:s28+$0x0];
	v30 =	vmul.f32 v25, v25;
	[tilespmem:s25+$0xFFFFFF80] =	vst v31;
	v31 =	vadd.f32 v26, v17  }
0x21f: {  	v34 =	vadd.f32 v34, v16;
	v37 =	vadd.f32 v29, v15;
	v26 =	vld [tilespmem:s28+$0xFFFFFF80];
	v36 =	vmul.f32 v23, v23;
	[tilespmem:s25+$0xFFFFFFF0] =	vst v32  }
0x220: {  	v35 =	vmul.f32 v35, v6;
	v32 =	vld [tilespmem:s28+$0x20];
	v38 =	vmul.f32 v27, v27;
	v39 =	vadd.f32 v25, v27;
	[tilespmem:s25+$0xFFFFFFD0] =	vst v31  }
0x221: {  	v33 =	vmul.f32 v33, v5;
	v29 =	vld [tilespmem:s28+$0xFFFFFFF0];
	[tilespmem:s25+$0xFFFFFFC0] =	vst v34;
	v34 =	vadd.f32 v28, v18  }
0x222: {  	v35 =	vadd.f32 v35, v14;
	v28 =	vld [tilespmem:s28+$0xFFFFFFC0];
	v38 =	vadd.f32 v30, v38;
	[tilespmem:s25+$0xFFFFFFB0] =	vst v37  }
0x223: {  	v33 =	vadd.f32 v33, v13;
	v40 =	vadd.f32 v23, v22;
	v37 =	vmul.f32 v22, v22;
	v31 =	vld [tilespmem:s28+$0xFFFFFFD0];
	[tilespmem:s25+$0xFFFFFFE0] =	vst v34  }
0x224: {  	v41 =	vmul.f32 v20, v20;
	v34 =	vmul.f32 v21, v21;
	v42 =	vadd.f32 v20, v21;
	v30 =	vld [tilespmem:s28+$0xFFFFFFE0];
	[tilespmem:s25+$0xFFFFFFA0] =	vst v35  }
0x225: {  	v43 =	vmul.f32 v24, v24;
	v39 =	vadd.f32 v40, v39;
	v36 =	vadd.f32 v36, v37;
	v35 =	vld [tilespmem:s28+$0xFFFFFFB0];
	[tilespmem:s25+$0xFFFFFF90] =	vst v33;
	s25 =	smov.u32 s28  }
0x226: {  	v37 =	vmul.f32 v32, v32;
	v40 =	vadd.f32 v24, v32;
	v34 =	vadd.f32 v41, v34;
	v33 =	vld [tilespmem:s28+$0xFFFFFFA0]  }
0x227: {  	v44 =	vmul.f32 v26, v26;
	v36 =	vadd.f32 v36, v38;
	v41 =	vld [tilespmem:s28+$0xFFFFFF90]  }
0x228: {  	v38 =	vmul.f32 v29, v29;
	v40 =	vadd.f32 v40, v42;
	v37 =	vadd.f32 v43, v37  }
0x229: {  	v42 =	vmul.f32 v28, v28;
	v43 =	vmul.f32 v30, v30;
	v45 =	vadd.f32 v29, v30  }
0x22a: {  	v46 =	vmul.f32 v31, v31;
	v47 =	vadd.f32 v31, v28;
	v39 =	vadd.f32 v39, v40  }
0x22b: {  	v34 =	vadd.f32 v37, v34;
	v48 =	vmul.f32 v35, v35;
	v40 =	vmul.f32 v33, v33  }
0x22c: {  	v50 =	vperm.xlane v39, v0;
	v37 =	vmul.f32 v41, v41;
	v49 =	vadd.f32 v41, v26  }
0x22d: {  	v51 =	vadd.f32 v35, v33;
	v40 =	vadd.f32 v48, v40  }
0x22e: {  	v38 =	vadd.f32 v38, v43;
	v39 =	vadd.f32 v39, v50  }
0x22f: {  	v42 =	vadd.f32 v46, v42;
	v34 =	vadd.f32 v36, v34  }
0x230: {  	v43 =	vadd.f32 v45, v47;
	v36 =	vadd.f32 v51, v49;
	v45 =	vperm.xlane v39, v1  }
0x231: {  	v38 =	vadd.f32 v38, v42;
	v42 =	vperm.xlane v34, v0;
	v37 =	vadd.f32 v37, v44  }
0x232: {  	v36 =	vadd.f32 v43, v36  }
0x233: {  	v34 =	vadd.f32 v34, v42;
	v39 =	vadd.f32 v39, v45  }
0x234: {  	v37 =	vadd.f32 v40, v37;
	v40 =	vperm.xlane v36, v0  }
0x235: {  	v42 =	vperm.xlane v34, v1;
	v43 =	vperm.xlane v39, v2  }
0x236: {  	v37 =	vadd.f32 v38, v37;
	v36 =	vadd.f32 v36, v40  }
0x237: {  	v34 =	vadd.f32 v34, v42;
	v38 =	vadd.f32 v43, v39  }
0x238: {  	v39 =	vperm.xlane v37, v0;
	v40 =	vperm.xlane v36, v1  }
0x239: {  	v42 =	vperm.xlane v34, v2;
	v43 =	vperm.xlane v38, v3  }
0x23a: {  	v37 =	vadd.f32 v37, v39;
	v36 =	vadd.f32 v36, v40  }
0x23b: {  	v34 =	vadd.f32 v42, v34;
	v38 =	vadd.f32 v43, v38  }
0x23c: {  	v39 =	vperm.xlane v37, v1;
	v40 =	vperm.xlane v36, v2  }
0x23d: {  	v42 =	vperm.xlane v34, v3;
	v38 =	vmul.f32 $7.812500000e-03, v38  }
0x23e: {  	v37 =	vadd.f32 v37, v39;
	v36 =	vadd.f32 v40, v36  }
0x23f: {  	v34 =	vadd.f32 v42, v34;
	v39 =	vsub.f32 v25, v38  }
0x240: {  	v25 =	vperm.xlane v37, v2;
	v42 =	vsub.f32 v22, v38;
	v40 =	vperm.xlane v36, v3  }
0x241: {  	v22 =	vmul.f32 $7.812500000e-03, v34;
	v34 =	vmul.f32 v38, v38;
	v43 =	vsub.f32 v27, v38  }
0x242: {  	v25 =	vadd.f32 v25, v37;
	v27 =	vadd.f32 v40, v36  }
0x243: {  	v22 =	vsub.f32 v22, v34;
	v34 =	vsub.f32 v23, v38  }
0x244: {  	v32 =	vsub.f32 v32, v38;
	v23 =	vperm.xlane v25, v3;
	v36 =	vmul.f32 $7.812500000e-03, v27  }
0x245: {  	v37 =	vsub.f32 v24, v38;
	v27 =	vadd.f32 $9.999999740e-06, v22  }
0x246: {  	v23 =	vadd.f32 v23, v25;
	v22 =	vsub.f32 v33, v36  }
0x247: {  	v24 =	vsub.f32 v35, v36;
	v25 =	vshra.s32 v27, $0x1;
	v33 =	vmul.f32 $5.000000000e-01, v27  }
0x248: {  	v35 =	vmul.f32 v36, v36;
	v27 =	vmul.f32 $7.812500000e-03, v23;
	v40 =	vsub.s32 $0x5F3759DF, v25  }
0x249: {  	v25 =	vsub.f32 v26, v36;
	v23 =	vsub.f32 v41, v36;
	v41 =	vmul.f32 v40, v33  }
0x24a: {  	v35 =	vsub.f32 v27, v35;
	v27 =	vsub.f32 v29, v36  }
0x24b: {  	v26 =	vsub.f32 v31, v36;
	v31 =	vsub.f32 v21, v38;
	v29 =	vmul.f32 v40, v41  }
0x24c: {  	v38 =	vsub.f32 v20, v38;
	v35 =	vadd.f32 $9.999999740e-06, v35  }
0x24d: {  	v21 =	vsub.f32 v28, v36;
	v28 =	vsub.f32 $1.500000000e+00, v29  }
0x24e: {  	v20 =	vsub.f32 v30, v36;
	v29 =	vshra.s32 v35, $0x1;
	v35 =	vmul.f32 $5.000000000e-01, v35  }
0x24f: {  	v29 =	vsub.s32 $0x5F3759DF, v29;
	v28 =	vmul.f32 v40, v28  }
0x250: {  	v30 =	vmul.f32 v29, v35  }
0x251: {  	v36 =	vmul.f32 v28, v33  }
0x252: {  	v30 =	vmul.f32 v29, v30  }
0x253: {  	v36 =	vmul.f32 v36, v28  }
0x254: {  	v30 =	vsub.f32 $1.500000000e+00, v30  }
0x255: {  	v36 =	vsub.f32 $1.500000000e+00, v36  }
0x256: {  	v29 =	vmul.f32 v29, v30  }
0x257: {  	v28 =	vmul.f32 v36, v28  }
0x258: {  	v30 =	vmul.f32 v29, v35  }
0x259: {  	v33 =	vmul.f32 v28, v33  }
0x25a: {  	v30 =	vmul.f32 v30, v29  }
0x25b: {  	v33 =	vmul.f32 v33, v28  }
0x25c: {  	v30 =	vsub.f32 $1.500000000e+00, v30  }
0x25d: {  	v33 =	vsub.f32 $1.500000000e+00, v33  }
0x25e: {  	v29 =	vmul.f32 v30, v29  }
0x25f: {  	v28 =	vmul.f32 v33, v28  }
0x260: {  	v33 =	vmul.f32 v29, v35  }
0x261: {  	v35 =	vmul.f32 v28, v39;
	v36 =	vmul.f32 v28, v42  }
0x262: {  	v39 =	vmul.f32 v28, v43;
	v34 =	vmul.f32 v28, v34  }
0x263: {  	v30 =	vmul.f32 v28, v32;
	v32 =	vmul.f32 v36, v10  }
0x264: {  	v33 =	vmul.f32 v33, v29;
	v34 =	vmul.f32 v34, v11  }
.Ltmp10:
0x265: {  	v36 =	vmul.f32 v39, v8;
	v35 =	vmul.f32 v35, v9;
	v32 =	vadd.f32 v32, v18;
	(pc) =	sbr.rel @p0 .LBB2_5-.Ltmp10, $4  }
0x266: {  	v37 =	vmul.f32 v28, v37;
	v39 =	vsub.f32 $1.500000000e+00, v33;
	v40 =	vadd.f32 v34, v19  }
0x267: {  	v38 =	vmul.f32 v28, v38;
	v34 =	vmul.f32 v28, v31;
	v33 =	vadd.f32 v36, v16;
	[tilespmem:s28+$0x60] =	vst v32  }
0x268: {  	v31 =	vmul.f32 v37, v7;
	v28 =	vmul.f32 v39, v29;
	v32 =	vadd.f32 v35, v17  }
0x269: {  	v29 =	vmul.f32 v34, v4;
	v34 =	vmul.f32 v38, v5;
	[tilespmem:s28+$0x70] =	vst v40  }
0x26a: {  	[tilespmem:s25+$0x40] =	vst v33;
	v25 =	vmul.f32 v28, v25;
	v31 =	vadd.f32 v31, v15  }
0x26b: {  	[tilespmem:s25+$0x50] =	vst v32;
	v27 =	vmul.f32 v28, v27;
	v30 =	vmul.f32 v30, v6;
	v60 =	vadd.f32 v34, v13  }
0x26c: {  	v26 =	vmul.f32 v28, v26;
	v29 =	vadd.f32 v29, v12;
	v25 =	vmul.f32 v25, v4;
	[tilespmem:s25+$0x30] =	vst v31  }
0x26d: {  	v21 =	vmul.f32 v28, v21;
	v27 =	vmul.f32 v27, v11;
	v30 =	vadd.f32 v30, v14;
	[tilespmem:s25+$0x10] =	vst v60  }
0x26e: {  	v24 =	vmul.f32 v28, v24;
	v26 =	vmul.f32 v26, v9;
	[tilespmem:s25+$0x0] =	vst v29;
	v25 =	vadd.f32 v25, v12  }
0x26f: {  	v20 =	vmul.f32 v28, v20;
	v21 =	vmul.f32 v21, v8;
	v27 =	vadd.f32 v27, v19;
	[tilespmem:s25+$0x20] =	vst v30  }
0x270: {  	v22 =	vmul.f32 v28, v22;
	v24 =	vmul.f32 v24, v7;
	v61 =	vadd.f32 v26, v17;
	[tilespmem:s25+$0xFFFFFF80] =	vst v25  }
0x271: {  	v23 =	vmul.f32 v28, v23;
	v20 =	vmul.f32 v20, v10;
	v21 =	vadd.f32 v21, v16;
	[tilespmem:s25+$0xFFFFFFF0] =	vst v27  }
0x272: {  	v22 =	vmul.f32 v22, v6;
	v24 =	vadd.f32 v24, v15;
	[tilespmem:s25+$0xFFFFFFD0] =	vst v61  }
0x273: {  	v23 =	vmul.f32 v23, v5;
	v20 =	vadd.f32 v20, v18;
	[tilespmem:s25+$0xFFFFFFC0] =	vst v21  }
.Ltmp11:
0x274: {  	s26 =	sshll.u32 s24, $0xE;
	v62 =	vadd.f32 v22, v14;
	[tilespmem:s25+$0xFFFFFFB0] =	vst v24;
	(pc) =	sbr.rel .LBB2_13-.Ltmp11, $4  }
0x275: {  	s26 =	sadd.s32 s8, s26;
	v63 =	vadd.f32 v23, v13;
	[tilespmem:s25+$0xFFFFFFE0] =	vst v20  }
0x276: {  	s26 =	sshrl.u32 s26, $0x3;
	[tilespmem:s25+$0xFFFFFFA0] =	vst v62  }
0x277: {  	s31 =	sadd.s32 s5, s26;
	[tilespmem:s25+$0xFFFFFF90] =	vst v63  }
0x278: {  	[hbm4b:s31+s6] =	stream.linear.scatter [tilespmem:s14], [sflag:$0x4], $0x4000, $0x38;
	[tilespmem:$0xDA00] =	vst v63  }
.LBB2_15:
0x279: {  	_ =	sfence.sel $0x180000  }
0x27a: {  	[bflag:$0x0] =	sbarrier.arrive $0xFFFF  }
0x27b: {  	p0 =	sne.s32 s3, $0x0;
	_ =	strace $0x90000047  }
0x27c: {  	s0 =	sadd.s32 @!p0 $0x100000, s4;
	[bflag:$0x2] =	sbarrier.arrive $0xFFFF  }
0x27d: {  	[sflag:s0] =	ssyncadd.tile.s32 @!p0 $0x1;
	_ =	shalt  }
.Lfunc_end2:
_tile_overlayer_lowered:
.L_overlay_start_2:
0x27e: {  	(tag) =	ssettag $0x2  }
0x27f: {  	s0 =	rddreg [dreg:$0x0];
	s2 =	stileid.u32  }
0x280: {  	s1 =	rddreg [dreg:$0x1];
	p0 =	sne.s32 s2, $0x0  }
0x281: {  	s3 =	rddreg [dreg:$0x2];
	[bflag:$0x3] =	sbarrier.arrive $0xFFFF;
	s2 =	simm.s32 @!p0 $0x1C07  }
0x282: {  	[timem:s3], [sflag:s2] =	dma.local @!p0 [hbm:s0], s1  }
0x283: {  	s0 =	simm.s32 @!p0 $0x7  }
0x284: {  	_ =	swait.ge @!p0 [sflag:s0], s1  }
0x285: {  	s1 =	ssub.s32 @!p0 $0x0, s1;
	[sflag:s0] =	ssyncset.done @!p0 $0x0  }
0x286: {  	[sflag:s0] =	ssyncadd.s32 @!p0 s1  }
0x287: {  	[bflag:$0x3] =	sbarrier.arrive $0xFFFF  }
0x288: {  	_ =	shalt  }

</sc_bundles>
